<compile_context>
chip_gen: v7x
topology: tpu7x:2x2x1
jax: 0.10.2.dev20260603
libtpu: 0.0.44.dev20260713+nightly
codegen_flags: <defaults>
</compile_context>

<pallas_src>
import functools

import jax
import jax.numpy as jnp
from jax import lax
from jax.experimental import pallas as pl
from jax.experimental.pallas import tpu as pltpu
from jax.experimental.pallas import tpu_sc as plsc

SEQ = 200
EMB = 64
NTAGS = 1000
LANES = 16
ROWS_PER_W = 8
ACTIVE_W = SEQ // ROWS_PER_W
BLK = 128


def _sc_gather_pool(words, emb_table_t):
    mesh = plsc.VectorSubcoreMesh(core_axis_name="c", subcore_axis_name="s")

    @functools.partial(
        pl.kernel,
        out_type=jax.ShapeDtypeStruct((ACTIVE_W, EMB), jnp.float32),
        mesh=mesh,
        scratch_types=[
            pltpu.VMEM((ROWS_PER_W + LANES,), jnp.int32),
            pltpu.VMEM((ROWS_PER_W * EMB + 2, BLK), jnp.float32),
            pltpu.VMEM((1, EMB), jnp.float32),
            pltpu.SemaphoreType.DMA,
        ],
    )
    def k(words_hbm, table_hbm, out_hbm, idx_v, blocks_v, part_v, sem_a):
        wid = lax.axis_index("s") * 2 + lax.axis_index("c")

        @pl.when(wid < ACTIVE_W)
        def _():
            pltpu.sync_copy(
                words_hbm.at[pl.ds(wid * ROWS_PER_W, ROWS_PER_W)],
                idx_v.at[pl.ds(0, ROWS_PER_W)])
            idx_vec = idx_v[pl.ds(0, LANES)]
            for j in range(ROWS_PER_W):
                tb = pl.multiple_of((idx_vec[j] // BLK) * BLK, BLK)
                pltpu.async_copy(
                    table_hbm.at[:, pl.ds(tb, BLK)],
                    blocks_v.at[pl.ds(1 + j * EMB, EMB)], sem_a)
            for j in range(ROWS_PER_W):
                pltpu.make_async_copy(
                    table_hbm.at[:, pl.ds(0, BLK)],
                    blocks_v.at[pl.ds(1, EMB)], sem_a).wait()
            lane = lax.iota(jnp.int32, LANES)

            def word_body(j, acc):
                col = idx_v[pl.ds(j, LANES)][0] % BLK
                for c in range(EMB // LANES):
                    for l in range(LANES):
                        d = c * LANES + l
                        v = blocks_v[1 + j * EMB + d, pl.ds(col - l, LANES)]
                        acc = (acc[:c]
                               + (jnp.where(lane == l, acc[c] + v, acc[c]),)
                               + acc[c + 1:])
                return acc

            acc = lax.fori_loop(
                0, ROWS_PER_W, word_body,
                tuple(jnp.zeros((LANES,), jnp.float32)
                      for _ in range(EMB // LANES)))
            for c in range(EMB // LANES):
                part_v[0, pl.ds(c * LANES, LANES)] = acc[c]
            pltpu.sync_copy(part_v, out_hbm.at[pl.ds(wid, 1)])

    return k(words, emb_table_t)


def _tc_mlp(partials, W0, b0, W1, b1, W_out, b_out):

    def body(p_ref, w0t_ref, b0_ref, w1_ref, b1_ref, wo_ref, bo_ref, o_ref):
        h = jnp.sum(p_ref[...], axis=0, keepdims=True)
        h = jnp.tanh(
            lax.dot_general(h, w0t_ref[...], (((1,), (0,)), ((), ())),
                            preferred_element_type=jnp.float32) + b0_ref[...])
        h = jnp.tanh(
            lax.dot_general(h, w1_ref[...], (((1,), (1,)), ((), ())),
                            preferred_element_type=jnp.float32) + b1_ref[...])
        o_ref[...] = lax.dot_general(
            h, wo_ref[...], (((1,), (1,)), ((), ())),
            preferred_element_type=jnp.float32) + bo_ref[...]

    return pl.pallas_call(
        body,
        out_shape=jax.ShapeDtypeStruct((1, NTAGS), jnp.float32),
    )(partials, W0, b0, W1, b1, W_out, b_out)


def kernel(words, emb_table, W0, b0, W1, b1, W_out, b_out):
    partials = _sc_gather_pool(words.astype(jnp.int32), emb_table.T)
    return _tc_mlp(partials, W0.T, b0.reshape(1, -1), W1, b1.reshape(1, -1),
                   W_out, b_out.reshape(1, -1))

# --- scband reference (transcript-rebuilt; emitter-appended) ---
"""Pipeline reference for scband-deep-cbo-w-12352325944076 (READ-ONLY COPY).

The authoritative reference and input builder live on the scoring server;
editing this copy changes nothing except your own understanding.
"""

import jax, jax.numpy as jnp
import numpy as np

NWORDS = 1000000
NTAGS = 1000
EMB = 64
HID = 128
SEQ = 200

def setup_inputs(seed: int = 0) -> dict:
    key = jax.random.key(seed)
    ks = jax.random.split(key, 8)
    words = jax.random.randint(ks[0], (SEQ,), 0, NWORDS, dtype=jnp.int64 if jax.config.jax_enable_x64 else jnp.int32)
    # xavier-uniform-ish init for learned params
    def xavier(k, shape):
        fan_in, fan_out = shape[1], shape[0]
        bound = float(np.sqrt(6.0 / (fan_in + fan_out)))
        return jax.random.uniform(k, shape, jnp.float32, -bound, bound)
    emb_table = xavier(ks[1], (NWORDS, EMB))
    W0 = xavier(ks[2], (HID, EMB))
    b0 = jnp.zeros((HID,), jnp.float32)
    W1 = xavier(ks[3], (HID, HID))
    b1 = jnp.zeros((HID,), jnp.float32)
    W_out = xavier(ks[4], (NTAGS, HID))
    b_out = jnp.zeros((NTAGS,), jnp.float32)
    return {"words": words, "emb_table": emb_table, "W0": W0, "b0": b0, "W1": W1, "b1": b1, "W_out": W_out, "b_out": b_out}

def reference(words, emb_table, W0, b0, W1, b1, W_out, b_out):
    emb = jnp.take(emb_table, words, axis=0)        # [SEQ, EMB] gather
    h = jnp.sum(emb, axis=0).reshape(1, -1)          # [1, EMB]
    h = jnp.tanh(h @ W0.T + b0)                      # [1, HID]
    h = jnp.tanh(h @ W1.T + b1)                      # [1, HID]
    out = h @ W_out.T + b_out                        # [1, NTAGS]
    return out

if __name__ == "__main__":
    import jax
    _d = setup_inputs()
    print(jax.jit(kernel)(*tuple(_d.values())))

</pallas_src>

<mosaic_0001>
#map = affine_map<(d0, d1) -> (0)>
#map1 = affine_map<(d0, d1) -> (0, 0)>
module attributes {stable_mosaic.version = 14 : i64} {
  func.func @k(%arg0: i32, %arg1: i32, %arg2: memref<200xi32, #tpu.memory_space<hbm>>, %arg3: memref<64x1000000xf32, #tpu.memory_space<hbm>>, %arg4: memref<25x64xf32, #tpu.memory_space<hbm>>, %arg5: memref<24xi32, #tpu.memory_space<vmem>>, %arg6: memref<514x128xf32, #tpu.memory_space<vmem>>, %arg7: memref<1x64xf32, #tpu.memory_space<vmem>>, %arg8: memref<!tpu.dma_semaphore, #tpu.memory_space<semaphore_mem>>) attributes {dimension_semantics = [#tpu.dimension_semantics<core_parallel>, #tpu.dimension_semantics<subcore_parallel>], iteration_bounds = array<i64: 2, 16>, scalar_prefetch = 0 : i64, scratch_operands = 4 : i64, tpu.core_type = #tpu.core_type<sc_vector_subcore>, window_params = [{transform_indices = #map}, {transform_indices = #map1}, {transform_indices = #map1}]} {
    %mul3A = arith.constant 2 : i32
    %mul3A_0 = arith.muli %arg1, %mul3A : i32
    %add3A = arith.addi %mul3A_0, %arg0 : i32
    %lt3A = arith.constant 25 : i32
    %lt3A_1 = arith.cmpi slt, %add3A, %lt3A : i32
    %convert_element_type3A = arith.extui %lt3A_1 : i1 to i32
    %cond3A = arith.constant 0 : i32
    %cond3A_2 = arith.cmpi ne, %convert_element_type3A, %cond3A : i32
    scf.if %cond3A_2 {
      %mul3A_3 = arith.constant 8 : i32
      %mul3A_4 = arith.muli %add3A, %mul3A_3 : i32
      "tpu.region"() ({
        %run_scoped3A = tpu.sem_alloc : memref<!tpu.dma_semaphore, #tpu.memory_space<semaphore_mem>>
        %dma_start3A_437 = arith.constant 0 : i32
        %dma_start3A_438 = tpu.memref_slice %arg5[%dma_start3A_437] : memref<24xi32, #tpu.memory_space<vmem>> -> memref<8xi32, #tpu.memory_space<vmem>>
        %dma_start3A_439 = tpu.memref_slice %arg2[%mul3A_4] : memref<200xi32, #tpu.memory_space<hbm>> -> memref<8xi32, #tpu.memory_space<hbm>>
        %dma_start3A_440 = arith.constant 0 : i32
        %dma_start3A_441 = tpu.memref_slice %arg5[%dma_start3A_440] : memref<24xi32, #tpu.memory_space<vmem>> -> memref<8xi32, #tpu.memory_space<vmem>>
        %dma_start3A_442 = tpu.memref_slice %arg2[%mul3A_4] : memref<200xi32, #tpu.memory_space<hbm>> -> memref<8xi32, #tpu.memory_space<hbm>>
        tpu.enqueue_dma source(%dma_start3A_442 : memref<8xi32, #tpu.memory_space<hbm>>) target(%dma_start3A_441 : memref<8xi32, #tpu.memory_space<vmem>>) target_semaphore(%run_scoped3A : memref<!tpu.dma_semaphore, #tpu.memory_space<semaphore_mem>>)
        %dma_wait3A_443 = arith.constant 0 : i32
        %dma_wait3A_444 = tpu.memref_slice %arg5[%dma_wait3A_443] : memref<24xi32, #tpu.memory_space<vmem>> -> memref<8xi32, #tpu.memory_space<vmem>>
        %dma_wait3A_445 = tpu.memref_slice %arg2[%mul3A_4] : memref<200xi32, #tpu.memory_space<hbm>> -> memref<8xi32, #tpu.memory_space<hbm>>
        %dma_wait3A_446 = arith.constant 0 : i32
        %dma_wait3A_447 = tpu.memref_slice %arg5[%dma_wait3A_446] : memref<24xi32, #tpu.memory_space<vmem>> -> memref<8xi32, #tpu.memory_space<vmem>>
        %dma_wait3A_448 = tpu.memref_slice %arg2[%mul3A_4] : memref<200xi32, #tpu.memory_space<hbm>> -> memref<8xi32, #tpu.memory_space<hbm>>
        tpu.wait_dma2 semaphore(%run_scoped3A : memref<!tpu.dma_semaphore, #tpu.memory_space<semaphore_mem>>) src(%dma_wait3A_448 : memref<8xi32, #tpu.memory_space<hbm>>) dst(%dma_wait3A_447 : memref<8xi32, #tpu.memory_space<vmem>>)
        tpu.yield
      }) : () -> ()
      %get3A = arith.constant 0 : index
      %get3A_5 = tpu.vector_load %arg5[%get3A] {strides = array<i32>} : memref<24xi32, #tpu.memory_space<vmem>>, vector<16xi32>,
      %get3A_6 = vector.shape_cast %get3A_5 : vector<16xi32> to vector<16xi32>
      %slice3A = vector.extract_strided_slice %get3A_6 {offsets = [0], sizes = [1], strides = [1]} : vector<16xi32> to vector<1xi32>
      %squeeze3A = vector.extract %slice3A[0] : i32 from vector<1xi32>
      %jit3A = arith.constant 128 : i32
      %div3A = arith.divsi %squeeze3A, %jit3A : i32
      %sign3A = arith.constant 0 : i32
      %sign3A_7 = arith.cmpi sgt, %squeeze3A, %sign3A : i32
      %sign3A_8 = arith.extui %sign3A_7 : i1 to i32
      %sign3A_9 = arith.constant 0 : i32
      %sign3A_10 = arith.cmpi slt, %squeeze3A, %sign3A_9 : i32
      %sign3A_11 = arith.extui %sign3A_10 : i1 to i32
      %sign3A_12 = arith.subi %sign3A_8, %sign3A_11 : i32
      %sign3A_13 = arith.constant 0 : i32
      %sign3A_14 = arith.cmpi sgt, %jit3A, %sign3A_13 : i32
      %sign3A_15 = arith.extui %sign3A_14 : i1 to i32
      %sign3A_16 = arith.constant 0 : i32
      %sign3A_17 = arith.cmpi slt, %jit3A, %sign3A_16 : i32
      %sign3A_18 = arith.extui %sign3A_17 : i1 to i32
      %sign3A_19 = arith.subi %sign3A_15, %sign3A_18 : i32
      %ne3A = arith.cmpi ne, %sign3A_12, %sign3A_19 : i32
      %rem3A = arith.remsi %squeeze3A, %jit3A : i32
      %ne3A_20 = arith.constant 0 : i32
      %ne3A_21 = arith.cmpi ne, %rem3A, %ne3A_20 : i32
      %and3A = arith.andi %ne3A, %ne3A_21 : i1
      %sub3A = arith.constant 1 : i32
      %sub3A_22 = arith.subi %div3A, %sub3A : i32
      %select_n3A = arith.select %and3A, %sub3A_22, %div3A : i32
      %mul3A_23 = arith.constant 128 : i32
      %mul3A_24 = arith.muli %select_n3A, %mul3A_23 : i32
      %multiple_of3A = tpu.assume_multiple %mul3A_24, 128 : i32
      %dma_start3A = arith.constant 1 : i32
      %dma_start3A_25 = arith.constant 0 : i32
      %dma_start3A_26 = tpu.memref_slice %arg6[%dma_start3A, %dma_start3A_25] : memref<514x128xf32, #tpu.memory_space<vmem>> -> memref<64x128xf32, #tpu.memory_space<vmem>>
      %dma_start3A_27 = arith.constant 0 : i32
      %dma_start3A_28 = tpu.memref_slice %arg3[%dma_start3A_27, %multiple_of3A] : memref<64x1000000xf32, #tpu.memory_space<hbm>> -> memref<64x128xf32, #tpu.memory_space<hbm>>
      %dma_start3A_29 = arith.constant 1 : i32
      %dma_start3A_30 = arith.constant 0 : i32
      %dma_start3A_31 = tpu.memref_slice %arg6[%dma_start3A_29, %dma_start3A_30] : memref<514x128xf32, #tpu.memory_space<vmem>> -> memref<64x128xf32, #tpu.memory_space<vmem>>
      %dma_start3A_32 = arith.constant 0 : i32
      %dma_start3A_33 = tpu.memref_slice %arg3[%dma_start3A_32, %multiple_of3A] : memref<64x1000000xf32, #tpu.memory_space<hbm>> -> memref<64x128xf32, #tpu.memory_space<hbm>>
      tpu.enqueue_dma source(%dma_start3A_33 : memref<64x128xf32, #tpu.memory_space<hbm>>) target(%dma_start3A_31 : memref<64x128xf32, #tpu.memory_space<vmem>>) target_semaphore(%arg8 : memref<!tpu.dma_semaphore, #tpu.memory_space<semaphore_mem>>)
      %slice3A_34 = vector.extract_strided_slice %get3A_6 {offsets = [1], sizes = [1], strides = [1]} : vector<16xi32> to vector<1xi32>
      %squeeze3A_35 = vector.extract %slice3A_34[0] : i32 from vector<1xi32>
      %jit3A_36 = arith.constant 128 : i32
      %div3A_37 = arith.divsi %squeeze3A_35, %jit3A_36 : i32
      %sign3A_38 = arith.constant 0 : i32
      %sign3A_39 = arith.cmpi sgt, %squeeze3A_35, %sign3A_38 : i32
      %sign3A_40 = arith.extui %sign3A_39 : i1 to i32
      %sign3A_41 = arith.constant 0 : i32
      %sign3A_42 = arith.cmpi slt, %squeeze3A_35, %sign3A_41 : i32
      %sign3A_43 = arith.extui %sign3A_42 : i1 to i32
      %sign3A_44 = arith.subi %sign3A_40, %sign3A_43 : i32
      %sign3A_45 = arith.constant 0 : i32
      %sign3A_46 = arith.cmpi sgt, %jit3A_36, %sign3A_45 : i32
      %sign3A_47 = arith.extui %sign3A_46 : i1 to i32
      %sign3A_48 = arith.constant 0 : i32
      %sign3A_49 = arith.cmpi slt, %jit3A_36, %sign3A_48 : i32
      %sign3A_50 = arith.extui %sign3A_49 : i1 to i32
      %sign3A_51 = arith.subi %sign3A_47, %sign3A_50 : i32
      %ne3A_52 = arith.cmpi ne, %sign3A_44, %sign3A_51 : i32
      %rem3A_53 = arith.remsi %squeeze3A_35, %jit3A_36 : i32
      %ne3A_54 = arith.constant 0 : i32
      %ne3A_55 = arith.cmpi ne, %rem3A_53, %ne3A_54 : i32
      %and3A_56 = arith.andi %ne3A_52, %ne3A_55 : i1
      %sub3A_57 = arith.constant 1 : i32
      %sub3A_58 = arith.subi %div3A_37, %sub3A_57 : i32
      %select_n3A_59 = arith.select %and3A_56, %sub3A_58, %div3A_37 : i32
      %mul3A_60 = arith.constant 128 : i32
      %mul3A_61 = arith.muli %select_n3A_59, %mul3A_60 : i32
      %multiple_of3A_62 = tpu.assume_multiple %mul3A_61, 128 : i32
      %dma_start3A_63 = arith.constant 65 : i32
      %dma_start3A_64 = arith.constant 0 : i32
      %dma_start3A_65 = tpu.memref_slice %arg6[%dma_start3A_63, %dma_start3A_64] : memref<514x128xf32, #tpu.memory_space<vmem>> -> memref<64x128xf32, #tpu.memory_space<vmem>>
      %dma_start3A_66 = arith.constant 0 : i32
      %dma_start3A_67 = tpu.memref_slice %arg3[%dma_start3A_66, %multiple_of3A_62] : memref<64x1000000xf32, #tpu.memory_space<hbm>> -> memref<64x128xf32, #tpu.memory_space<hbm>>
      %dma_start3A_68 = arith.constant 65 : i32
      %dma_start3A_69 = arith.constant 0 : i32
      %dma_start3A_70 = tpu.memref_slice %arg6[%dma_start3A_68, %dma_start3A_69] : memref<514x128xf32, #tpu.memory_space<vmem>> -> memref<64x128xf32, #tpu.memory_space<vmem>>
      %dma_start3A_71 = arith.constant 0 : i32
      %dma_start3A_72 = tpu.memref_slice %arg3[%dma_start3A_71, %multiple_of3A_62] : memref<64x1000000xf32, #tpu.memory_space<hbm>> -> memref<64x128xf32, #tpu.memory_space<hbm>>
      tpu.enqueue_dma source(%dma_start3A_72 : memref<64x128xf32, #tpu.memory_space<hbm>>) target(%dma_start3A_70 : memref<64x128xf32, #tpu.memory_space<vmem>>) target_semaphore(%arg8 : memref<!tpu.dma_semaphore, #tpu.memory_space<semaphore_mem>>)
      %slice3A_73 = vector.extract_strided_slice %get3A_6 {offsets = [2], sizes = [1], strides = [1]} : vector<16xi32> to vector<1xi32>
      %squeeze3A_74 = vector.extract %slice3A_73[0] : i32 from vector<1xi32>
      %jit3A_75 = arith.constant 128 : i32
      %div3A_76 = arith.divsi %squeeze3A_74, %jit3A_75 : i32
      %sign3A_77 = arith.constant 0 : i32
      %sign3A_78 = arith.cmpi sgt, %squeeze3A_74, %sign3A_77 : i32
      %sign3A_79 = arith.extui %sign3A_78 : i1 to i32
      %sign3A_80 = arith.constant 0 : i32
      %sign3A_81 = arith.cmpi slt, %squeeze3A_74, %sign3A_80 : i32
      %sign3A_82 = arith.extui %sign3A_81 : i1 to i32
      %sign3A_83 = arith.subi %sign3A_79, %sign3A_82 : i32
      %sign3A_84 = arith.constant 0 : i32
      %sign3A_85 = arith.cmpi sgt, %jit3A_75, %sign3A_84 : i32
      %sign3A_86 = arith.extui %sign3A_85 : i1 to i32
      %sign3A_87 = arith.constant 0 : i32
      %sign3A_88 = arith.cmpi slt, %jit3A_75, %sign3A_87 : i32
      %sign3A_89 = arith.extui %sign3A_88 : i1 to i32
      %sign3A_90 = arith.subi %sign3A_86, %sign3A_89 : i32
      %ne3A_91 = arith.cmpi ne, %sign3A_83, %sign3A_90 : i32
      %rem3A_92 = arith.remsi %squeeze3A_74, %jit3A_75 : i32
      %ne3A_93 = arith.constant 0 : i32
      %ne3A_94 = arith.cmpi ne, %rem3A_92, %ne3A_93 : i32
      %and3A_95 = arith.andi %ne3A_91, %ne3A_94 : i1
      %sub3A_96 = arith.constant 1 : i32
      %sub3A_97 = arith.subi %div3A_76, %sub3A_96 : i32
      %select_n3A_98 = arith.select %and3A_95, %sub3A_97, %div3A_76 : i32
      %mul3A_99 = arith.constant 128 : i32
      %mul3A_100 = arith.muli %select_n3A_98, %mul3A_99 : i32
      %multiple_of3A_101 = tpu.assume_multiple %mul3A_100, 128 : i32
      %dma_start3A_102 = arith.constant 129 : i32
      %dma_start3A_103 = arith.constant 0 : i32
      %dma_start3A_104 = tpu.memref_slice %arg6[%dma_start3A_102, %dma_start3A_103] : memref<514x128xf32, #tpu.memory_space<vmem>> -> memref<64x128xf32, #tpu.memory_space<vmem>>
      %dma_start3A_105 = arith.constant 0 : i32
      %dma_start3A_106 = tpu.memref_slice %arg3[%dma_start3A_105, %multiple_of3A_101] : memref<64x1000000xf32, #tpu.memory_space<hbm>> -> memref<64x128xf32, #tpu.memory_space<hbm>>
      %dma_start3A_107 = arith.constant 129 : i32
      %dma_start3A_108 = arith.constant 0 : i32
      %dma_start3A_109 = tpu.memref_slice %arg6[%dma_start3A_107, %dma_start3A_108] : memref<514x128xf32, #tpu.memory_space<vmem>> -> memref<64x128xf32, #tpu.memory_space<vmem>>
      %dma_start3A_110 = arith.constant 0 : i32
      %dma_start3A_111 = tpu.memref_slice %arg3[%dma_start3A_110, %multiple_of3A_101] : memref<64x1000000xf32, #tpu.memory_space<hbm>> -> memref<64x128xf32, #tpu.memory_space<hbm>>
      tpu.enqueue_dma source(%dma_start3A_111 : memref<64x128xf32, #tpu.memory_space<hbm>>) target(%dma_start3A_109 : memref<64x128xf32, #tpu.memory_space<vmem>>) target_semaphore(%arg8 : memref<!tpu.dma_semaphore, #tpu.memory_space<semaphore_mem>>)
      %slice3A_112 = vector.extract_strided_slice %get3A_6 {offsets = [3], sizes = [1], strides = [1]} : vector<16xi32> to vector<1xi32>
      %squeeze3A_113 = vector.extract %slice3A_112[0] : i32 from vector<1xi32>
      %jit3A_114 = arith.constant 128 : i32
      %div3A_115 = arith.divsi %squeeze3A_113, %jit3A_114 : i32
      %sign3A_116 = arith.constant 0 : i32
      %sign3A_117 = arith.cmpi sgt, %squeeze3A_113, %sign3A_116 : i32
      %sign3A_118 = arith.extui %sign3A_117 : i1 to i32
      %sign3A_119 = arith.constant 0 : i32
      %sign3A_120 = arith.cmpi slt, %squeeze3A_113, %sign3A_119 : i32
      %sign3A_121 = arith.extui %sign3A_120 : i1 to i32
      %sign3A_122 = arith.subi %sign3A_118, %sign3A_121 : i32
      %sign3A_123 = arith.constant 0 : i32
      %sign3A_124 = arith.cmpi sgt, %jit3A_114, %sign3A_123 : i32
      %sign3A_125 = arith.extui %sign3A_124 : i1 to i32
      %sign3A_126 = arith.constant 0 : i32
      %sign3A_127 = arith.cmpi slt, %jit3A_114, %sign3A_126 : i32
      %sign3A_128 = arith.extui %sign3A_127 : i1 to i32
      %sign3A_129 = arith.subi %sign3A_125, %sign3A_128 : i32
      %ne3A_130 = arith.cmpi ne, %sign3A_122, %sign3A_129 : i32
      %rem3A_131 = arith.remsi %squeeze3A_113, %jit3A_114 : i32
      %ne3A_132 = arith.constant 0 : i32
      %ne3A_133 = arith.cmpi ne, %rem3A_131, %ne3A_132 : i32
      %and3A_134 = arith.andi %ne3A_130, %ne3A_133 : i1
      %sub3A_135 = arith.constant 1 : i32
      %sub3A_136 = arith.subi %div3A_115, %sub3A_135 : i32
      %select_n3A_137 = arith.select %and3A_134, %sub3A_136, %div3A_115 : i32
      %mul3A_138 = arith.constant 128 : i32
      %mul3A_139 = arith.muli %select_n3A_137, %mul3A_138 : i32
      %multiple_of3A_140 = tpu.assume_multiple %mul3A_139, 128 : i32
      %dma_start3A_141 = arith.constant 193 : i32
      %dma_start3A_142 = arith.constant 0 : i32
      %dma_start3A_143 = tpu.memref_slice %arg6[%dma_start3A_141, %dma_start3A_142] : memref<514x128xf32, #tpu.memory_space<vmem>> -> memref<64x128xf32, #tpu.memory_space<vmem>>
      %dma_start3A_144 = arith.constant 0 : i32
      %dma_start3A_145 = tpu.memref_slice %arg3[%dma_start3A_144, %multiple_of3A_140] : memref<64x1000000xf32, #tpu.memory_space<hbm>> -> memref<64x128xf32, #tpu.memory_space<hbm>>
      %dma_start3A_146 = arith.constant 193 : i32
      %dma_start3A_147 = arith.constant 0 : i32
      %dma_start3A_148 = tpu.memref_slice %arg6[%dma_start3A_146, %dma_start3A_147] : memref<514x128xf32, #tpu.memory_space<vmem>> -> memref<64x128xf32, #tpu.memory_space<vmem>>
      %dma_start3A_149 = arith.constant 0 : i32
      %dma_start3A_150 = tpu.memref_slice %arg3[%dma_start3A_149, %multiple_of3A_140] : memref<64x1000000xf32, #tpu.memory_space<hbm>> -> memref<64x128xf32, #tpu.memory_space<hbm>>
      tpu.enqueue_dma source(%dma_start3A_150 : memref<64x128xf32, #tpu.memory_space<hbm>>) target(%dma_start3A_148 : memref<64x128xf32, #tpu.memory_space<vmem>>) target_semaphore(%arg8 : memref<!tpu.dma_semaphore, #tpu.memory_space<semaphore_mem>>)
      %slice3A_151 = vector.extract_strided_slice %get3A_6 {offsets = [4], sizes = [1], strides = [1]} : vector<16xi32> to vector<1xi32>
      %squeeze3A_152 = vector.extract %slice3A_151[0] : i32 from vector<1xi32>
      %jit3A_153 = arith.constant 128 : i32
      %div3A_154 = arith.divsi %squeeze3A_152, %jit3A_153 : i32
      %sign3A_155 = arith.constant 0 : i32
      %sign3A_156 = arith.cmpi sgt, %squeeze3A_152, %sign3A_155 : i32
      %sign3A_157 = arith.extui %sign3A_156 : i1 to i32
      %sign3A_158 = arith.constant 0 : i32
      %sign3A_159 = arith.cmpi slt, %squeeze3A_152, %sign3A_158 : i32
      %sign3A_160 = arith.extui %sign3A_159 : i1 to i32
      %sign3A_161 = arith.subi %sign3A_157, %sign3A_160 : i32
      %sign3A_162 = arith.constant 0 : i32
      %sign3A_163 = arith.cmpi sgt, %jit3A_153, %sign3A_162 : i32
      %sign3A_164 = arith.extui %sign3A_163 : i1 to i32
      %sign3A_165 = arith.constant 0 : i32
      %sign3A_166 = arith.cmpi slt, %jit3A_153, %sign3A_165 : i32
      %sign3A_167 = arith.extui %sign3A_166 : i1 to i32
      %sign3A_168 = arith.subi %sign3A_164, %sign3A_167 : i32
      %ne3A_169 = arith.cmpi ne, %sign3A_161, %sign3A_168 : i32
      %rem3A_170 = arith.remsi %squeeze3A_152, %jit3A_153 : i32
      %ne3A_171 = arith.constant 0 : i32
      %ne3A_172 = arith.cmpi ne, %rem3A_170, %ne3A_171 : i32
      %and3A_173 = arith.andi %ne3A_169, %ne3A_172 : i1
      %sub3A_174 = arith.constant 1 : i32
      %sub3A_175 = arith.subi %div3A_154, %sub3A_174 : i32
      %select_n3A_176 = arith.select %and3A_173, %sub3A_175, %div3A_154 : i32
      %mul3A_177 = arith.constant 128 : i32
      %mul3A_178 = arith.muli %select_n3A_176, %mul3A_177 : i32
      %multiple_of3A_179 = tpu.assume_multiple %mul3A_178, 128 : i32
      %dma_start3A_180 = arith.constant 257 : i32
      %dma_start3A_181 = arith.constant 0 : i32
      %dma_start3A_182 = tpu.memref_slice %arg6[%dma_start3A_180, %dma_start3A_181] : memref<514x128xf32, #tpu.memory_space<vmem>> -> memref<64x128xf32, #tpu.memory_space<vmem>>
      %dma_start3A_183 = arith.constant 0 : i32
      %dma_start3A_184 = tpu.memref_slice %arg3[%dma_start3A_183, %multiple_of3A_179] : memref<64x1000000xf32, #tpu.memory_space<hbm>> -> memref<64x128xf32, #tpu.memory_space<hbm>>
      %dma_start3A_185 = arith.constant 257 : i32
      %dma_start3A_186 = arith.constant 0 : i32
      %dma_start3A_187 = tpu.memref_slice %arg6[%dma_start3A_185, %dma_start3A_186] : memref<514x128xf32, #tpu.memory_space<vmem>> -> memref<64x128xf32, #tpu.memory_space<vmem>>
      %dma_start3A_188 = arith.constant 0 : i32
      %dma_start3A_189 = tpu.memref_slice %arg3[%dma_start3A_188, %multiple_of3A_179] : memref<64x1000000xf32, #tpu.memory_space<hbm>> -> memref<64x128xf32, #tpu.memory_space<hbm>>
      tpu.enqueue_dma source(%dma_start3A_189 : memref<64x128xf32, #tpu.memory_space<hbm>>) target(%dma_start3A_187 : memref<64x128xf32, #tpu.memory_space<vmem>>) target_semaphore(%arg8 : memref<!tpu.dma_semaphore, #tpu.memory_space<semaphore_mem>>)
      %slice3A_190 = vector.extract_strided_slice %get3A_6 {offsets = [5], sizes = [1], strides = [1]} : vector<16xi32> to vector<1xi32>
      %squeeze3A_191 = vector.extract %slice3A_190[0] : i32 from vector<1xi32>
      %jit3A_192 = arith.constant 128 : i32
      %div3A_193 = arith.divsi %squeeze3A_191, %jit3A_192 : i32
      %sign3A_194 = arith.constant 0 : i32
      %sign3A_195 = arith.cmpi sgt, %squeeze3A_191, %sign3A_194 : i32
      %sign3A_196 = arith.extui %sign3A_195 : i1 to i32
      %sign3A_197 = arith.constant 0 : i32
      %sign3A_198 = arith.cmpi slt, %squeeze3A_191, %sign3A_197 : i32
      %sign3A_199 = arith.extui %sign3A_198 : i1 to i32
      %sign3A_200 = arith.subi %sign3A_196, %sign3A_199 : i32
      %sign3A_201 = arith.constant 0 : i32
      %sign3A_202 = arith.cmpi sgt, %jit3A_192, %sign3A_201 : i32
      %sign3A_203 = arith.extui %sign3A_202 : i1 to i32
      %sign3A_204 = arith.constant 0 : i32
      %sign3A_205 = arith.cmpi slt, %jit3A_192, %sign3A_204 : i32
      %sign3A_206 = arith.extui %sign3A_205 : i1 to i32
      %sign3A_207 = arith.subi %sign3A_203, %sign3A_206 : i32
      %ne3A_208 = arith.cmpi ne, %sign3A_200, %sign3A_207 : i32
      %rem3A_209 = arith.remsi %squeeze3A_191, %jit3A_192 : i32
      %ne3A_210 = arith.constant 0 : i32
      %ne3A_211 = arith.cmpi ne, %rem3A_209, %ne3A_210 : i32
      %and3A_212 = arith.andi %ne3A_208, %ne3A_211 : i1
      %sub3A_213 = arith.constant 1 : i32
      %sub3A_214 = arith.subi %div3A_193, %sub3A_213 : i32
      %select_n3A_215 = arith.select %and3A_212, %sub3A_214, %div3A_193 : i32
      %mul3A_216 = arith.constant 128 : i32
      %mul3A_217 = arith.muli %select_n3A_215, %mul3A_216 : i32
      %multiple_of3A_218 = tpu.assume_multiple %mul3A_217, 128 : i32
      %dma_start3A_219 = arith.constant 321 : i32
      %dma_start3A_220 = arith.constant 0 : i32
      %dma_start3A_221 = tpu.memref_slice %arg6[%dma_start3A_219, %dma_start3A_220] : memref<514x128xf32, #tpu.memory_space<vmem>> -> memref<64x128xf32, #tpu.memory_space<vmem>>
      %dma_start3A_222 = arith.constant 0 : i32
      %dma_start3A_223 = tpu.memref_slice %arg3[%dma_start3A_222, %multiple_of3A_218] : memref<64x1000000xf32, #tpu.memory_space<hbm>> -> memref<64x128xf32, #tpu.memory_space<hbm>>
      %dma_start3A_224 = arith.constant 321 : i32
      %dma_start3A_225 = arith.constant 0 : i32
      %dma_start3A_226 = tpu.memref_slice %arg6[%dma_start3A_224, %dma_start3A_225] : memref<514x128xf32, #tpu.memory_space<vmem>> -> memref<64x128xf32, #tpu.memory_space<vmem>>
      %dma_start3A_227 = arith.constant 0 : i32
      %dma_start3A_228 = tpu.memref_slice %arg3[%dma_start3A_227, %multiple_of3A_218] : memref<64x1000000xf32, #tpu.memory_space<hbm>> -> memref<64x128xf32, #tpu.memory_space<hbm>>
      tpu.enqueue_dma source(%dma_start3A_228 : memref<64x128xf32, #tpu.memory_space<hbm>>) target(%dma_start3A_226 : memref<64x128xf32, #tpu.memory_space<vmem>>) target_semaphore(%arg8 : memref<!tpu.dma_semaphore, #tpu.memory_space<semaphore_mem>>)
      %slice3A_229 = vector.extract_strided_slice %get3A_6 {offsets = [6], sizes = [1], strides = [1]} : vector<16xi32> to vector<1xi32>
      %squeeze3A_230 = vector.extract %slice3A_229[0] : i32 from vector<1xi32>
      %jit3A_231 = arith.constant 128 : i32
      %div3A_232 = arith.divsi %squeeze3A_230, %jit3A_231 : i32
      %sign3A_233 = arith.constant 0 : i32
      %sign3A_234 = arith.cmpi sgt, %squeeze3A_230, %sign3A_233 : i32
      %sign3A_235 = arith.extui %sign3A_234 : i1 to i32
      %sign3A_236 = arith.constant 0 : i32
      %sign3A_237 = arith.cmpi slt, %squeeze3A_230, %sign3A_236 : i32
      %sign3A_238 = arith.extui %sign3A_237 : i1 to i32
      %sign3A_239 = arith.subi %sign3A_235, %sign3A_238 : i32
      %sign3A_240 = arith.constant 0 : i32
      %sign3A_241 = arith.cmpi sgt, %jit3A_231, %sign3A_240 : i32
      %sign3A_242 = arith.extui %sign3A_241 : i1 to i32
      %sign3A_243 = arith.constant 0 : i32
      %sign3A_244 = arith.cmpi slt, %jit3A_231, %sign3A_243 : i32
      %sign3A_245 = arith.extui %sign3A_244 : i1 to i32
      %sign3A_246 = arith.subi %sign3A_242, %sign3A_245 : i32
      %ne3A_247 = arith.cmpi ne, %sign3A_239, %sign3A_246 : i32
      %rem3A_248 = arith.remsi %squeeze3A_230, %jit3A_231 : i32
      %ne3A_249 = arith.constant 0 : i32
      %ne3A_250 = arith.cmpi ne, %rem3A_248, %ne3A_249 : i32
      %and3A_251 = arith.andi %ne3A_247, %ne3A_250 : i1
      %sub3A_252 = arith.constant 1 : i32
      %sub3A_253 = arith.subi %div3A_232, %sub3A_252 : i32
      %select_n3A_254 = arith.select %and3A_251, %sub3A_253, %div3A_232 : i32
      %mul3A_255 = arith.constant 128 : i32
      %mul3A_256 = arith.muli %select_n3A_254, %mul3A_255 : i32
      %multiple_of3A_257 = tpu.assume_multiple %mul3A_256, 128 : i32
      %dma_start3A_258 = arith.constant 385 : i32
      %dma_start3A_259 = arith.constant 0 : i32
      %dma_start3A_260 = tpu.memref_slice %arg6[%dma_start3A_258, %dma_start3A_259] : memref<514x128xf32, #tpu.memory_space<vmem>> -> memref<64x128xf32, #tpu.memory_space<vmem>>
      %dma_start3A_261 = arith.constant 0 : i32
      %dma_start3A_262 = tpu.memref_slice %arg3[%dma_start3A_261, %multiple_of3A_257] : memref<64x1000000xf32, #tpu.memory_space<hbm>> -> memref<64x128xf32, #tpu.memory_space<hbm>>
      %dma_start3A_263 = arith.constant 385 : i32
      %dma_start3A_264 = arith.constant 0 : i32
      %dma_start3A_265 = tpu.memref_slice %arg6[%dma_start3A_263, %dma_start3A_264] : memref<514x128xf32, #tpu.memory_space<vmem>> -> memref<64x128xf32, #tpu.memory_space<vmem>>
      %dma_start3A_266 = arith.constant 0 : i32
      %dma_start3A_267 = tpu.memref_slice %arg3[%dma_start3A_266, %multiple_of3A_257] : memref<64x1000000xf32, #tpu.memory_space<hbm>> -> memref<64x128xf32, #tpu.memory_space<hbm>>
      tpu.enqueue_dma source(%dma_start3A_267 : memref<64x128xf32, #tpu.memory_space<hbm>>) target(%dma_start3A_265 : memref<64x128xf32, #tpu.memory_space<vmem>>) target_semaphore(%arg8 : memref<!tpu.dma_semaphore, #tpu.memory_space<semaphore_mem>>)
      %slice3A_268 = vector.extract_strided_slice %get3A_6 {offsets = [7], sizes = [1], strides = [1]} : vector<16xi32> to vector<1xi32>
      %squeeze3A_269 = vector.extract %slice3A_268[0] : i32 from vector<1xi32>
      %jit3A_270 = arith.constant 128 : i32
      %div3A_271 = arith.divsi %squeeze3A_269, %jit3A_270 : i32
      %sign3A_272 = arith.constant 0 : i32
      %sign3A_273 = arith.cmpi sgt, %squeeze3A_269, %sign3A_272 : i32
      %sign3A_274 = arith.extui %sign3A_273 : i1 to i32
      %sign3A_275 = arith.constant 0 : i32
      %sign3A_276 = arith.cmpi slt, %squeeze3A_269, %sign3A_275 : i32
      %sign3A_277 = arith.extui %sign3A_276 : i1 to i32
      %sign3A_278 = arith.subi %sign3A_274, %sign3A_277 : i32
      %sign3A_279 = arith.constant 0 : i32
      %sign3A_280 = arith.cmpi sgt, %jit3A_270, %sign3A_279 : i32
      %sign3A_281 = arith.extui %sign3A_280 : i1 to i32
      %sign3A_282 = arith.constant 0 : i32
      %sign3A_283 = arith.cmpi slt, %jit3A_270, %sign3A_282 : i32
      %sign3A_284 = arith.extui %sign3A_283 : i1 to i32
      %sign3A_285 = arith.subi %sign3A_281, %sign3A_284 : i32
      %ne3A_286 = arith.cmpi ne, %sign3A_278, %sign3A_285 : i32
      %rem3A_287 = arith.remsi %squeeze3A_269, %jit3A_270 : i32
      %ne3A_288 = arith.constant 0 : i32
      %ne3A_289 = arith.cmpi ne, %rem3A_287, %ne3A_288 : i32
      %and3A_290 = arith.andi %ne3A_286, %ne3A_289 : i1
      %sub3A_291 = arith.constant 1 : i32
      %sub3A_292 = arith.subi %div3A_271, %sub3A_291 : i32
      %select_n3A_293 = arith.select %and3A_290, %sub3A_292, %div3A_271 : i32
      %mul3A_294 = arith.constant 128 : i32
      %mul3A_295 = arith.muli %select_n3A_293, %mul3A_294 : i32
      %multiple_of3A_296 = tpu.assume_multiple %mul3A_295, 128 : i32
      %dma_start3A_297 = arith.constant 449 : i32
      %dma_start3A_298 = arith.constant 0 : i32
      %dma_start3A_299 = tpu.memref_slice %arg6[%dma_start3A_297, %dma_start3A_298] : memref<514x128xf32, #tpu.memory_space<vmem>> -> memref<64x128xf32, #tpu.memory_space<vmem>>
      %dma_start3A_300 = arith.constant 0 : i32
      %dma_start3A_301 = tpu.memref_slice %arg3[%dma_start3A_300, %multiple_of3A_296] : memref<64x1000000xf32, #tpu.memory_space<hbm>> -> memref<64x128xf32, #tpu.memory_space<hbm>>
      %dma_start3A_302 = arith.constant 449 : i32
      %dma_start3A_303 = arith.constant 0 : i32
      %dma_start3A_304 = tpu.memref_slice %arg6[%dma_start3A_302, %dma_start3A_303] : memref<514x128xf32, #tpu.memory_space<vmem>> -> memref<64x128xf32, #tpu.memory_space<vmem>>
      %dma_start3A_305 = arith.constant 0 : i32
      %dma_start3A_306 = tpu.memref_slice %arg3[%dma_start3A_305, %multiple_of3A_296] : memref<64x1000000xf32, #tpu.memory_space<hbm>> -> memref<64x128xf32, #tpu.memory_space<hbm>>
      tpu.enqueue_dma source(%dma_start3A_306 : memref<64x128xf32, #tpu.memory_space<hbm>>) target(%dma_start3A_304 : memref<64x128xf32, #tpu.memory_space<vmem>>) target_semaphore(%arg8 : memref<!tpu.dma_semaphore, #tpu.memory_space<semaphore_mem>>)
      %dma_wait3A = arith.constant 1 : i32
      %dma_wait3A_307 = arith.constant 0 : i32
      %dma_wait3A_308 = tpu.memref_slice %arg6[%dma_wait3A, %dma_wait3A_307] : memref<514x128xf32, #tpu.memory_space<vmem>> -> memref<64x128xf32, #tpu.memory_space<vmem>>
      %dma_wait3A_309 = arith.constant 0 : i32
      %dma_wait3A_310 = arith.constant 0 : i32
      %dma_wait3A_311 = tpu.memref_slice %arg3[%dma_wait3A_309, %dma_wait3A_310] : memref<64x1000000xf32, #tpu.memory_space<hbm>> -> memref<64x128xf32, #tpu.memory_space<hbm>>
      %dma_wait3A_312 = arith.constant 1 : i32
      %dma_wait3A_313 = arith.constant 0 : i32
      %dma_wait3A_314 = tpu.memref_slice %arg6[%dma_wait3A_312, %dma_wait3A_313] : memref<514x128xf32, #tpu.memory_space<vmem>> -> memref<64x128xf32, #tpu.memory_space<vmem>>
      %dma_wait3A_315 = arith.constant 0 : i32
      %dma_wait3A_316 = arith.constant 0 : i32
      %dma_wait3A_317 = tpu.memref_slice %arg3[%dma_wait3A_315, %dma_wait3A_316] : memref<64x1000000xf32, #tpu.memory_space<hbm>> -> memref<64x128xf32, #tpu.memory_space<hbm>>
      tpu.wait_dma2 semaphore(%arg8 : memref<!tpu.dma_semaphore, #tpu.memory_space<semaphore_mem>>) src(%dma_wait3A_317 : memref<64x128xf32, #tpu.memory_space<hbm>>) dst(%dma_wait3A_314 : memref<64x128xf32, #tpu.memory_space<vmem>>)
      %dma_wait3A_318 = arith.constant 1 : i32
      %dma_wait3A_319 = arith.constant 0 : i32
      %dma_wait3A_320 = tpu.memref_slice %arg6[%dma_wait3A_318, %dma_wait3A_319] : memref<514x128xf32, #tpu.memory_space<vmem>> -> memref<64x128xf32, #tpu.memory_space<vmem>>
      %dma_wait3A_321 = arith.constant 0 : i32
      %dma_wait3A_322 = arith.constant 0 : i32
      %dma_wait3A_323 = tpu.memref_slice %arg3[%dma_wait3A_321, %dma_wait3A_322] : memref<64x1000000xf32, #tpu.memory_space<hbm>> -> memref<64x128xf32, #tpu.memory_space<hbm>>
      %dma_wait3A_324 = arith.constant 1 : i32
      %dma_wait3A_325 = arith.constant 0 : i32
      %dma_wait3A_326 = tpu.memref_slice %arg6[%dma_wait3A_324, %dma_wait3A_325] : memref<514x128xf32, #tpu.memory_space<vmem>> -> memref<64x128xf32, #tpu.memory_space<vmem>>
      %dma_wait3A_327 = arith.constant 0 : i32
      %dma_wait3A_328 = arith.constant 0 : i32
      %dma_wait3A_329 = tpu.memref_slice %arg3[%dma_wait3A_327, %dma_wait3A_328] : memref<64x1000000xf32, #tpu.memory_space<hbm>> -> memref<64x128xf32, #tpu.memory_space<hbm>>
      tpu.wait_dma2 semaphore(%arg8 : memref<!tpu.dma_semaphore, #tpu.memory_space<semaphore_mem>>) src(%dma_wait3A_329 : memref<64x128xf32, #tpu.memory_space<hbm>>) dst(%dma_wait3A_326 : memref<64x128xf32, #tpu.memory_space<vmem>>)
      %dma_wait3A_330 = arith.constant 1 : i32
      %dma_wait3A_331 = arith.constant 0 : i32
      %dma_wait3A_332 = tpu.memref_slice %arg6[%dma_wait3A_330, %dma_wait3A_331] : memref<514x128xf32, #tpu.memory_space<vmem>> -> memref<64x128xf32, #tpu.memory_space<vmem>>
      %dma_wait3A_333 = arith.constant 0 : i32
      %dma_wait3A_334 = arith.constant 0 : i32
      %dma_wait3A_335 = tpu.memref_slice %arg3[%dma_wait3A_333, %dma_wait3A_334] : memref<64x1000000xf32, #tpu.memory_space<hbm>> -> memref<64x128xf32, #tpu.memory_space<hbm>>
      %dma_wait3A_336 = arith.constant 1 : i32
      %dma_wait3A_337 = arith.constant 0 : i32
      %dma_wait3A_338 = tpu.memref_slice %arg6[%dma_wait3A_336, %dma_wait3A_337] : memref<514x128xf32, #tpu.memory_space<vmem>> -> memref<64x128xf32, #tpu.memory_space<vmem>>
      %dma_wait3A_339 = arith.constant 0 : i32
      %dma_wait3A_340 = arith.constant 0 : i32
      %dma_wait3A_341 = tpu.memref_slice %arg3[%dma_wait3A_339, %dma_wait3A_340] : memref<64x1000000xf32, #tpu.memory_space<hbm>> -> memref<64x128xf32, #tpu.memory_space<hbm>>
      tpu.wait_dma2 semaphore(%arg8 : memref<!tpu.dma_semaphore, #tpu.memory_space<semaphore_mem>>) src(%dma_wait3A_341 : memref<64x128xf32, #tpu.memory_space<hbm>>) dst(%dma_wait3A_338 : memref<64x128xf32, #tpu.memory_space<vmem>>)
      %dma_wait3A_342 = arith.constant 1 : i32
      %dma_wait3A_343 = arith.constant 0 : i32
      %dma_wait3A_344 = tpu.memref_slice %arg6[%dma_wait3A_342, %dma_wait3A_343] : memref<514x128xf32, #tpu.memory_space<vmem>> -> memref<64x128xf32, #tpu.memory_space<vmem>>
      %dma_wait3A_345 = arith.constant 0 : i32
      %dma_wait3A_346 = arith.constant 0 : i32
      %dma_wait3A_347 = tpu.memref_slice %arg3[%dma_wait3A_345, %dma_wait3A_346] : memref<64x1000000xf32, #tpu.memory_space<hbm>> -> memref<64x128xf32, #tpu.memory_space<hbm>>
      %dma_wait3A_348 = arith.constant 1 : i32
      %dma_wait3A_349 = arith.constant 0 : i32
      %dma_wait3A_350 = tpu.memref_slice %arg6[%dma_wait3A_348, %dma_wait3A_349] : memref<514x128xf32, #tpu.memory_space<vmem>> -> memref<64x128xf32, #tpu.memory_space<vmem>>
      %dma_wait3A_351 = arith.constant 0 : i32
      %dma_wait3A_352 = arith.constant 0 : i32
      %dma_wait3A_353 = tpu.memref_slice %arg3[%dma_wait3A_351, %dma_wait3A_352] : memref<64x1000000xf32, #tpu.memory_space<hbm>> -> memref<64x128xf32, #tpu.memory_space<hbm>>
      tpu.wait_dma2 semaphore(%arg8 : memref<!tpu.dma_semaphore, #tpu.memory_space<semaphore_mem>>) src(%dma_wait3A_353 : memref<64x128xf32, #tpu.memory_space<hbm>>) dst(%dma_wait3A_350 : memref<64x128xf32, #tpu.memory_space<vmem>>)
      %dma_wait3A_354 = arith.constant 1 : i32
      %dma_wait3A_355 = arith.constant 0 : i32
      %dma_wait3A_356 = tpu.memref_slice %arg6[%dma_wait3A_354, %dma_wait3A_355] : memref<514x128xf32, #tpu.memory_space<vmem>> -> memref<64x128xf32, #tpu.memory_space<vmem>>
      %dma_wait3A_357 = arith.constant 0 : i32
      %dma_wait3A_358 = arith.constant 0 : i32
      %dma_wait3A_359 = tpu.memref_slice %arg3[%dma_wait3A_357, %dma_wait3A_358] : memref<64x1000000xf32, #tpu.memory_space<hbm>> -> memref<64x128xf32, #tpu.memory_space<hbm>>
      %dma_wait3A_360 = arith.constant 1 : i32
      %dma_wait3A_361 = arith.constant 0 : i32
      %dma_wait3A_362 = tpu.memref_slice %arg6[%dma_wait3A_360, %dma_wait3A_361] : memref<514x128xf32, #tpu.memory_space<vmem>> -> memref<64x128xf32, #tpu.memory_space<vmem>>
      %dma_wait3A_363 = arith.constant 0 : i32
      %dma_wait3A_364 = arith.constant 0 : i32
      %dma_wait3A_365 = tpu.memref_slice %arg3[%dma_wait3A_363, %dma_wait3A_364] : memref<64x1000000xf32, #tpu.memory_space<hbm>> -> memref<64x128xf32, #tpu.memory_space<hbm>>
      tpu.wait_dma2 semaphore(%arg8 : memref<!tpu.dma_semaphore, #tpu.memory_space<semaphore_mem>>) src(%dma_wait3A_365 : memref<64x128xf32, #tpu.memory_space<hbm>>) dst(%dma_wait3A_362 : memref<64x128xf32, #tpu.memory_space<vmem>>)
      %dma_wait3A_366 = arith.constant 1 : i32
      %dma_wait3A_367 = arith.constant 0 : i32
      %dma_wait3A_368 = tpu.memref_slice %arg6[%dma_wait3A_366, %dma_wait3A_367] : memref<514x128xf32, #tpu.memory_space<vmem>> -> memref<64x128xf32, #tpu.memory_space<vmem>>
      %dma_wait3A_369 = arith.constant 0 : i32
      %dma_wait3A_370 = arith.constant 0 : i32
      %dma_wait3A_371 = tpu.memref_slice %arg3[%dma_wait3A_369, %dma_wait3A_370] : memref<64x1000000xf32, #tpu.memory_space<hbm>> -> memref<64x128xf32, #tpu.memory_space<hbm>>
      %dma_wait3A_372 = arith.constant 1 : i32
      %dma_wait3A_373 = arith.constant 0 : i32
      %dma_wait3A_374 = tpu.memref_slice %arg6[%dma_wait3A_372, %dma_wait3A_373] : memref<514x128xf32, #tpu.memory_space<vmem>> -> memref<64x128xf32, #tpu.memory_space<vmem>>
      %dma_wait3A_375 = arith.constant 0 : i32
      %dma_wait3A_376 = arith.constant 0 : i32
      %dma_wait3A_377 = tpu.memref_slice %arg3[%dma_wait3A_375, %dma_wait3A_376] : memref<64x1000000xf32, #tpu.memory_space<hbm>> -> memref<64x128xf32, #tpu.memory_space<hbm>>
      tpu.wait_dma2 semaphore(%arg8 : memref<!tpu.dma_semaphore, #tpu.memory_space<semaphore_mem>>) src(%dma_wait3A_377 : memref<64x128xf32, #tpu.memory_space<hbm>>) dst(%dma_wait3A_374 : memref<64x128xf32, #tpu.memory_space<vmem>>)
      %dma_wait3A_378 = arith.constant 1 : i32
      %dma_wait3A_379 = arith.constant 0 : i32
      %dma_wait3A_380 = tpu.memref_slice %arg6[%dma_wait3A_378, %dma_wait3A_379] : memref<514x128xf32, #tpu.memory_space<vmem>> -> memref<64x128xf32, #tpu.memory_space<vmem>>
      %dma_wait3A_381 = arith.constant 0 : i32
      %dma_wait3A_382 = arith.constant 0 : i32
      %dma_wait3A_383 = tpu.memref_slice %arg3[%dma_wait3A_381, %dma_wait3A_382] : memref<64x1000000xf32, #tpu.memory_space<hbm>> -> memref<64x128xf32, #tpu.memory_space<hbm>>
      %dma_wait3A_384 = arith.constant 1 : i32
      %dma_wait3A_385 = arith.constant 0 : i32
      %dma_wait3A_386 = tpu.memref_slice %arg6[%dma_wait3A_384, %dma_wait3A_385] : memref<514x128xf32, #tpu.memory_space<vmem>> -> memref<64x128xf32, #tpu.memory_space<vmem>>
      %dma_wait3A_387 = arith.constant 0 : i32
      %dma_wait3A_388 = arith.constant 0 : i32
      %dma_wait3A_389 = tpu.memref_slice %arg3[%dma_wait3A_387, %dma_wait3A_388] : memref<64x1000000xf32, #tpu.memory_space<hbm>> -> memref<64x128xf32, #tpu.memory_space<hbm>>
      tpu.wait_dma2 semaphore(%arg8 : memref<!tpu.dma_semaphore, #tpu.memory_space<semaphore_mem>>) src(%dma_wait3A_389 : memref<64x128xf32, #tpu.memory_space<hbm>>) dst(%dma_wait3A_386 : memref<64x128xf32, #tpu.memory_space<vmem>>)
      %dma_wait3A_390 = arith.constant 1 : i32
      %dma_wait3A_391 = arith.constant 0 : i32
      %dma_wait3A_392 = tpu.memref_slice %arg6[%dma_wait3A_390, %dma_wait3A_391] : memref<514x128xf32, #tpu.memory_space<vmem>> -> memref<64x128xf32, #tpu.memory_space<vmem>>
      %dma_wait3A_393 = arith.constant 0 : i32
      %dma_wait3A_394 = arith.constant 0 : i32
      %dma_wait3A_395 = tpu.memref_slice %arg3[%dma_wait3A_393, %dma_wait3A_394] : memref<64x1000000xf32, #tpu.memory_space<hbm>> -> memref<64x128xf32, #tpu.memory_space<hbm>>
      %dma_wait3A_396 = arith.constant 1 : i32
      %dma_wait3A_397 = arith.constant 0 : i32
      %dma_wait3A_398 = tpu.memref_slice %arg6[%dma_wait3A_396, %dma_wait3A_397] : memref<514x128xf32, #tpu.memory_space<vmem>> -> memref<64x128xf32, #tpu.memory_space<vmem>>
      %dma_wait3A_399 = arith.constant 0 : i32
      %dma_wait3A_400 = arith.constant 0 : i32
      %dma_wait3A_401 = tpu.memref_slice %arg3[%dma_wait3A_399, %dma_wait3A_400] : memref<64x1000000xf32, #tpu.memory_space<hbm>> -> memref<64x128xf32, #tpu.memory_space<hbm>>
      tpu.wait_dma2 semaphore(%arg8 : memref<!tpu.dma_semaphore, #tpu.memory_space<semaphore_mem>>) src(%dma_wait3A_401 : memref<64x128xf32, #tpu.memory_space<hbm>>) dst(%dma_wait3A_398 : memref<64x128xf32, #tpu.memory_space<vmem>>)
      %iota3A = tpu.iota {dimensions = array<i32: 0>} : vector<16xi32>
      %broadcast_in_dim3A = arith.constant 0.000000e+00 : f32
      %broadcast_in_dim3A_402 = vector.broadcast %broadcast_in_dim3A : f32 to vector<16xf32>
      %broadcast_in_dim3A_403 = arith.constant 0.000000e+00 : f32
      %broadcast_in_dim3A_404 = vector.broadcast %broadcast_in_dim3A_403 : f32 to vector<16xf32>
      %broadcast_in_dim3A_405 = arith.constant 0.000000e+00 : f32
      %broadcast_in_dim3A_406 = vector.broadcast %broadcast_in_dim3A_405 : f32 to vector<16xf32>
      %broadcast_in_dim3A_407 = arith.constant 0.000000e+00 : f32
      %broadcast_in_dim3A_408 = vector.broadcast %broadcast_in_dim3A_407 : f32 to vector<16xf32>
      %scan3A = arith.constant 0 : i32
      %scan3A_409 = arith.constant 8 : i32
      %scan3A_410 = arith.addi %scan3A, %scan3A_409 : i32
      %scan3A_411 = arith.constant 1 : i32
      %scan3A_412:4 = scf.for %scan3A_437 = %scan3A to %scan3A_410 step %scan3A_411 iter_args(%scan3A_438 = %broadcast_in_dim3A_402, %scan3A_439 = %broadcast_in_dim3A_404, %scan3A_440 = %broadcast_in_dim3A_406, %scan3A_441 = %broadcast_in_dim3A_408) -> (vector<16xf32>, vector<16xf32>, vector<16xf32>, vector<16xf32>)  : i32 {
        %get3A_442 = arith.index_cast %scan3A_437 : i32 to index
        %get3A_443 = tpu.vector_load %arg5[%get3A_442] {strides = array<i32>} : memref<24xi32, #tpu.memory_space<vmem>>, vector<16xi32>,
        %get3A_444 = vector.shape_cast %get3A_443 : vector<16xi32> to vector<16xi32>
        %slice3A_445 = vector.extract_strided_slice %get3A_444 {offsets = [0], sizes = [1], strides = [1]} : vector<16xi32> to vector<1xi32>
        %squeeze3A_446 = vector.extract %slice3A_445[0] : i32 from vector<1xi32>
        %jit3A_447 = arith.constant 128 : i32
        %eq3A = arith.constant 0 : i32
        %eq3A_448 = arith.cmpi eq, %jit3A_447, %eq3A : i32
        %jit3A_449 = arith.constant 1 : i32
        %select_n3A_450 = arith.select %eq3A_448, %jit3A_449, %jit3A_447 : i32
        %rem3A_451 = arith.remsi %squeeze3A_446, %select_n3A_450 : i32
        %ne3A_452 = arith.constant 0 : i32
        %ne3A_453 = arith.cmpi ne, %rem3A_451, %ne3A_452 : i32
        %lt3A_454 = arith.constant 0 : i32
        %lt3A_455 = arith.cmpi slt, %rem3A_451, %lt3A_454 : i32
        %lt3A_456 = arith.constant 0 : i32
        %lt3A_457 = arith.cmpi slt, %select_n3A_450, %lt3A_456 : i32
        %ne3A_458 = arith.xori %lt3A_455, %lt3A_457 : i1
        %and3A_459 = arith.andi %ne3A_458, %ne3A_453 : i1
        %add3A_460 = arith.addi %rem3A_451, %select_n3A_450 : i32
        %select_n3A_461 = arith.select %and3A_459, %add3A_460, %rem3A_451 : i32
        %mul3A_462 = arith.constant 64 : i32
        %mul3A_463 = arith.muli %scan3A_437, %mul3A_462 : i32
        %add3A_464 = arith.constant 1 : i32
        %add3A_465 = arith.addi %add3A_464, %mul3A_463 : i32
        %add3A_466 = arith.constant 0 : i32
        %add3A_467 = arith.addi %add3A_465, %add3A_466 : i32
        %sub3A_468 = arith.constant 0 : i32
        %sub3A_469 = arith.subi %select_n3A_461, %sub3A_468 : i32
        %get3A_470 = arith.index_cast %add3A_467 : i32 to index
        %get3A_471 = arith.index_cast %sub3A_469 : i32 to index
        %get3A_472 = tpu.vector_load %arg6[%get3A_470, %get3A_471] {strides = array<i32>} : memref<514x128xf32, #tpu.memory_space<vmem>>, vector<1x16xf32>,
        %get3A_473 = vector.shape_cast %get3A_472 : vector<1x16xf32> to vector<16xf32>
        %eq3A_474 = arith.constant 0 : i32
        %eq3A_475 = vector.broadcast %eq3A_474 : i32 to vector<16xi32>
        %eq3A_476 = arith.cmpi eq, %iota3A, %eq3A_475 : vector<16xi32>
        %add3A_477 = arith.addf %scan3A_438, %get3A_473 : vector<16xf32>
        %select_n3A_478 = arith.select %eq3A_476, %add3A_477, %scan3A_438 : vector<16xi1>, vector<16xf32>
        %mul3A_479 = arith.constant 64 : i32
        %mul3A_480 = arith.muli %scan3A_437, %mul3A_479 : i32
        %add3A_481 = arith.constant 1 : i32
        %add3A_482 = arith.addi %add3A_481, %mul3A_480 : i32
        %add3A_483 = arith.constant 1 : i32
        %add3A_484 = arith.addi %add3A_482, %add3A_483 : i32
        %sub3A_485 = arith.constant 1 : i32
        %sub3A_486 = arith.subi %select_n3A_461, %sub3A_485 : i32
        %get3A_487 = arith.index_cast %add3A_484 : i32 to index
        %get3A_488 = arith.index_cast %sub3A_486 : i32 to index
        %get3A_489 = tpu.vector_load %arg6[%get3A_487, %get3A_488] {strides = array<i32>} : memref<514x128xf32, #tpu.memory_space<vmem>>, vector<1x16xf32>,
        %get3A_490 = vector.shape_cast %get3A_489 : vector<1x16xf32> to vector<16xf32>
        %eq3A_491 = arith.constant 1 : i32
        %eq3A_492 = vector.broadcast %eq3A_491 : i32 to vector<16xi32>
        %eq3A_493 = arith.cmpi eq, %iota3A, %eq3A_492 : vector<16xi32>
        %add3A_494 = arith.addf %select_n3A_478, %get3A_490 : vector<16xf32>
        %select_n3A_495 = arith.select %eq3A_493, %add3A_494, %select_n3A_478 : vector<16xi1>, vector<16xf32>
        %mul3A_496 = arith.constant 64 : i32
        %mul3A_497 = arith.muli %scan3A_437, %mul3A_496 : i32
        %add3A_498 = arith.constant 1 : i32
        %add3A_499 = arith.addi %add3A_498, %mul3A_497 : i32
        %add3A_500 = arith.constant 2 : i32
        %add3A_501 = arith.addi %add3A_499, %add3A_500 : i32
        %sub3A_502 = arith.constant 2 : i32
        %sub3A_503 = arith.subi %select_n3A_461, %sub3A_502 : i32
        %get3A_504 = arith.index_cast %add3A_501 : i32 to index
        %get3A_505 = arith.index_cast %sub3A_503 : i32 to index
        %get3A_506 = tpu.vector_load %arg6[%get3A_504, %get3A_505] {strides = array<i32>} : memref<514x128xf32, #tpu.memory_space<vmem>>, vector<1x16xf32>,
        %get3A_507 = vector.shape_cast %get3A_506 : vector<1x16xf32> to vector<16xf32>
        %eq3A_508 = arith.constant 2 : i32
        %eq3A_509 = vector.broadcast %eq3A_508 : i32 to vector<16xi32>
        %eq3A_510 = arith.cmpi eq, %iota3A, %eq3A_509 : vector<16xi32>
        %add3A_511 = arith.addf %select_n3A_495, %get3A_507 : vector<16xf32>
        %select_n3A_512 = arith.select %eq3A_510, %add3A_511, %select_n3A_495 : vector<16xi1>, vector<16xf32>
        %mul3A_513 = arith.constant 64 : i32
        %mul3A_514 = arith.muli %scan3A_437, %mul3A_513 : i32
        %add3A_515 = arith.constant 1 : i32
        %add3A_516 = arith.addi %add3A_515, %mul3A_514 : i32
        %add3A_517 = arith.constant 3 : i32
        %add3A_518 = arith.addi %add3A_516, %add3A_517 : i32
        %sub3A_519 = arith.constant 3 : i32
        %sub3A_520 = arith.subi %select_n3A_461, %sub3A_519 : i32
        %get3A_521 = arith.index_cast %add3A_518 : i32 to index
        %get3A_522 = arith.index_cast %sub3A_520 : i32 to index
        %get3A_523 = tpu.vector_load %arg6[%get3A_521, %get3A_522] {strides = array<i32>} : memref<514x128xf32, #tpu.memory_space<vmem>>, vector<1x16xf32>,
        %get3A_524 = vector.shape_cast %get3A_523 : vector<1x16xf32> to vector<16xf32>
        %eq3A_525 = arith.constant 3 : i32
        %eq3A_526 = vector.broadcast %eq3A_525 : i32 to vector<16xi32>
        %eq3A_527 = arith.cmpi eq, %iota3A, %eq3A_526 : vector<16xi32>
        %add3A_528 = arith.addf %select_n3A_512, %get3A_524 : vector<16xf32>
        %select_n3A_529 = arith.select %eq3A_527, %add3A_528, %select_n3A_512 : vector<16xi1>, vector<16xf32>
        %mul3A_530 = arith.constant 64 : i32
        %mul3A_531 = arith.muli %scan3A_437, %mul3A_530 : i32
        %add3A_532 = arith.constant 1 : i32
        %add3A_533 = arith.addi %add3A_532, %mul3A_531 : i32
        %add3A_534 = arith.constant 4 : i32
        %add3A_535 = arith.addi %add3A_533, %add3A_534 : i32
        %sub3A_536 = arith.constant 4 : i32
        %sub3A_537 = arith.subi %select_n3A_461, %sub3A_536 : i32
        %get3A_538 = arith.index_cast %add3A_535 : i32 to index
        %get3A_539 = arith.index_cast %sub3A_537 : i32 to index
        %get3A_540 = tpu.vector_load %arg6[%get3A_538, %get3A_539] {strides = array<i32>} : memref<514x128xf32, #tpu.memory_space<vmem>>, vector<1x16xf32>,
        %get3A_541 = vector.shape_cast %get3A_540 : vector<1x16xf32> to vector<16xf32>
        %eq3A_542 = arith.constant 4 : i32
        %eq3A_543 = vector.broadcast %eq3A_542 : i32 to vector<16xi32>
        %eq3A_544 = arith.cmpi eq, %iota3A, %eq3A_543 : vector<16xi32>
        %add3A_545 = arith.addf %select_n3A_529, %get3A_541 : vector<16xf32>
        %select_n3A_546 = arith.select %eq3A_544, %add3A_545, %select_n3A_529 : vector<16xi1>, vector<16xf32>
        %mul3A_547 = arith.constant 64 : i32
        %mul3A_548 = arith.muli %scan3A_437, %mul3A_547 : i32
        %add3A_549 = arith.constant 1 : i32
        %add3A_550 = arith.addi %add3A_549, %mul3A_548 : i32
        %add3A_551 = arith.constant 5 : i32
        %add3A_552 = arith.addi %add3A_550, %add3A_551 : i32
        %sub3A_553 = arith.constant 5 : i32
        %sub3A_554 = arith.subi %select_n3A_461, %sub3A_553 : i32
        %get3A_555 = arith.index_cast %add3A_552 : i32 to index
        %get3A_556 = arith.index_cast %sub3A_554 : i32 to index
        %get3A_557 = tpu.vector_load %arg6[%get3A_555, %get3A_556] {strides = array<i32>} : memref<514x128xf32, #tpu.memory_space<vmem>>, vector<1x16xf32>,
        %get3A_558 = vector.shape_cast %get3A_557 : vector<1x16xf32> to vector<16xf32>
        %eq3A_559 = arith.constant 5 : i32
        %eq3A_560 = vector.broadcast %eq3A_559 : i32 to vector<16xi32>
        %eq3A_561 = arith.cmpi eq, %iota3A, %eq3A_560 : vector<16xi32>
        %add3A_562 = arith.addf %select_n3A_546, %get3A_558 : vector<16xf32>
        %select_n3A_563 = arith.select %eq3A_561, %add3A_562, %select_n3A_546 : vector<16xi1>, vector<16xf32>
        %mul3A_564 = arith.constant 64 : i32
        %mul3A_565 = arith.muli %scan3A_437, %mul3A_564 : i32
        %add3A_566 = arith.constant 1 : i32
        %add3A_567 = arith.addi %add3A_566, %mul3A_565 : i32
        %add3A_568 = arith.constant 6 : i32
        %add3A_569 = arith.addi %add3A_567, %add3A_568 : i32
        %sub3A_570 = arith.constant 6 : i32
        %sub3A_571 = arith.subi %select_n3A_461, %sub3A_570 : i32
        %get3A_572 = arith.index_cast %add3A_569 : i32 to index
        %get3A_573 = arith.index_cast %sub3A_571 : i32 to index
        %get3A_574 = tpu.vector_load %arg6[%get3A_572, %get3A_573] {strides = array<i32>} : memref<514x128xf32, #tpu.memory_space<vmem>>, vector<1x16xf32>,
        %get3A_575 = vector.shape_cast %get3A_574 : vector<1x16xf32> to vector<16xf32>
        %eq3A_576 = arith.constant 6 : i32
        %eq3A_577 = vector.broadcast %eq3A_576 : i32 to vector<16xi32>
        %eq3A_578 = arith.cmpi eq, %iota3A, %eq3A_577 : vector<16xi32>
        %add3A_579 = arith.addf %select_n3A_563, %get3A_575 : vector<16xf32>
        %select_n3A_580 = arith.select %eq3A_578, %add3A_579, %select_n3A_563 : vector<16xi1>, vector<16xf32>
        %mul3A_581 = arith.constant 64 : i32
        %mul3A_582 = arith.muli %scan3A_437, %mul3A_581 : i32
        %add3A_583 = arith.constant 1 : i32
        %add3A_584 = arith.addi %add3A_583, %mul3A_582 : i32
        %add3A_585 = arith.constant 7 : i32
        %add3A_586 = arith.addi %add3A_584, %add3A_585 : i32
        %sub3A_587 = arith.constant 7 : i32
        %sub3A_588 = arith.subi %select_n3A_461, %sub3A_587 : i32
        %get3A_589 = arith.index_cast %add3A_586 : i32 to index
        %get3A_590 = arith.index_cast %sub3A_588 : i32 to index
        %get3A_591 = tpu.vector_load %arg6[%get3A_589, %get3A_590] {strides = array<i32>} : memref<514x128xf32, #tpu.memory_space<vmem>>, vector<1x16xf32>,
        %get3A_592 = vector.shape_cast %get3A_591 : vector<1x16xf32> to vector<16xf32>
        %eq3A_593 = arith.constant 7 : i32
        %eq3A_594 = vector.broadcast %eq3A_593 : i32 to vector<16xi32>
        %eq3A_595 = arith.cmpi eq, %iota3A, %eq3A_594 : vector<16xi32>
        %add3A_596 = arith.addf %select_n3A_580, %get3A_592 : vector<16xf32>
        %select_n3A_597 = arith.select %eq3A_595, %add3A_596, %select_n3A_580 : vector<16xi1>, vector<16xf32>
        %mul3A_598 = arith.constant 64 : i32
        %mul3A_599 = arith.muli %scan3A_437, %mul3A_598 : i32
        %add3A_600 = arith.constant 1 : i32
        %add3A_601 = arith.addi %add3A_600, %mul3A_599 : i32
        %add3A_602 = arith.constant 8 : i32
        %add3A_603 = arith.addi %add3A_601, %add3A_602 : i32
        %sub3A_604 = arith.constant 8 : i32
        %sub3A_605 = arith.subi %select_n3A_461, %sub3A_604 : i32
        %get3A_606 = arith.index_cast %add3A_603 : i32 to index
        %get3A_607 = arith.index_cast %sub3A_605 : i32 to index
        %get3A_608 = tpu.vector_load %arg6[%get3A_606, %get3A_607] {strides = array<i32>} : memref<514x128xf32, #tpu.memory_space<vmem>>, vector<1x16xf32>,
        %get3A_609 = vector.shape_cast %get3A_608 : vector<1x16xf32> to vector<16xf32>
        %eq3A_610 = arith.constant 8 : i32
        %eq3A_611 = vector.broadcast %eq3A_610 : i32 to vector<16xi32>
        %eq3A_612 = arith.cmpi eq, %iota3A, %eq3A_611 : vector<16xi32>
        %add3A_613 = arith.addf %select_n3A_597, %get3A_609 : vector<16xf32>
        %select_n3A_614 = arith.select %eq3A_612, %add3A_613, %select_n3A_597 : vector<16xi1>, vector<16xf32>
        %mul3A_615 = arith.constant 64 : i32
        %mul3A_616 = arith.muli %scan3A_437, %mul3A_615 : i32
        %add3A_617 = arith.constant 1 : i32
        %add3A_618 = arith.addi %add3A_617, %mul3A_616 : i32
        %add3A_619 = arith.constant 9 : i32
        %add3A_620 = arith.addi %add3A_618, %add3A_619 : i32
        %sub3A_621 = arith.constant 9 : i32
        %sub3A_622 = arith.subi %select_n3A_461, %sub3A_621 : i32
        %get3A_623 = arith.index_cast %add3A_620 : i32 to index
        %get3A_624 = arith.index_cast %sub3A_622 : i32 to index
        %get3A_625 = tpu.vector_load %arg6[%get3A_623, %get3A_624] {strides = array<i32>} : memref<514x128xf32, #tpu.memory_space<vmem>>, vector<1x16xf32>,
        %get3A_626 = vector.shape_cast %get3A_625 : vector<1x16xf32> to vector<16xf32>
        %eq3A_627 = arith.constant 9 : i32
        %eq3A_628 = vector.broadcast %eq3A_627 : i32 to vector<16xi32>
        %eq3A_629 = arith.cmpi eq, %iota3A, %eq3A_628 : vector<16xi32>
        %add3A_630 = arith.addf %select_n3A_614, %get3A_626 : vector<16xf32>
        %select_n3A_631 = arith.select %eq3A_629, %add3A_630, %select_n3A_614 : vector<16xi1>, vector<16xf32>
        %mul3A_632 = arith.constant 64 : i32
        %mul3A_633 = arith.muli %scan3A_437, %mul3A_632 : i32
        %add3A_634 = arith.constant 1 : i32
        %add3A_635 = arith.addi %add3A_634, %mul3A_633 : i32
        %add3A_636 = arith.constant 10 : i32
        %add3A_637 = arith.addi %add3A_635, %add3A_636 : i32
        %sub3A_638 = arith.constant 10 : i32
        %sub3A_639 = arith.subi %select_n3A_461, %sub3A_638 : i32
        %get3A_640 = arith.index_cast %add3A_637 : i32 to index
        %get3A_641 = arith.index_cast %sub3A_639 : i32 to index
        %get3A_642 = tpu.vector_load %arg6[%get3A_640, %get3A_641] {strides = array<i32>} : memref<514x128xf32, #tpu.memory_space<vmem>>, vector<1x16xf32>,
        %get3A_643 = vector.shape_cast %get3A_642 : vector<1x16xf32> to vector<16xf32>
        %eq3A_644 = arith.constant 10 : i32
        %eq3A_645 = vector.broadcast %eq3A_644 : i32 to vector<16xi32>
        %eq3A_646 = arith.cmpi eq, %iota3A, %eq3A_645 : vector<16xi32>
        %add3A_647 = arith.addf %select_n3A_631, %get3A_643 : vector<16xf32>
        %select_n3A_648 = arith.select %eq3A_646, %add3A_647, %select_n3A_631 : vector<16xi1>, vector<16xf32>
        %mul3A_649 = arith.constant 64 : i32
        %mul3A_650 = arith.muli %scan3A_437, %mul3A_649 : i32
        %add3A_651 = arith.constant 1 : i32
        %add3A_652 = arith.addi %add3A_651, %mul3A_650 : i32
        %add3A_653 = arith.constant 11 : i32
        %add3A_654 = arith.addi %add3A_652, %add3A_653 : i32
        %sub3A_655 = arith.constant 11 : i32
        %sub3A_656 = arith.subi %select_n3A_461, %sub3A_655 : i32
        %get3A_657 = arith.index_cast %add3A_654 : i32 to index
        %get3A_658 = arith.index_cast %sub3A_656 : i32 to index
        %get3A_659 = tpu.vector_load %arg6[%get3A_657, %get3A_658] {strides = array<i32>} : memref<514x128xf32, #tpu.memory_space<vmem>>, vector<1x16xf32>,
        %get3A_660 = vector.shape_cast %get3A_659 : vector<1x16xf32> to vector<16xf32>
        %eq3A_661 = arith.constant 11 : i32
        %eq3A_662 = vector.broadcast %eq3A_661 : i32 to vector<16xi32>
        %eq3A_663 = arith.cmpi eq, %iota3A, %eq3A_662 : vector<16xi32>
        %add3A_664 = arith.addf %select_n3A_648, %get3A_660 : vector<16xf32>
        %select_n3A_665 = arith.select %eq3A_663, %add3A_664, %select_n3A_648 : vector<16xi1>, vector<16xf32>
        %mul3A_666 = arith.constant 64 : i32
        %mul3A_667 = arith.muli %scan3A_437, %mul3A_666 : i32
        %add3A_668 = arith.constant 1 : i32
        %add3A_669 = arith.addi %add3A_668, %mul3A_667 : i32
        %add3A_670 = arith.constant 12 : i32
        %add3A_671 = arith.addi %add3A_669, %add3A_670 : i32
        %sub3A_672 = arith.constant 12 : i32
        %sub3A_673 = arith.subi %select_n3A_461, %sub3A_672 : i32
        %get3A_674 = arith.index_cast %add3A_671 : i32 to index
        %get3A_675 = arith.index_cast %sub3A_673 : i32 to index
        %get3A_676 = tpu.vector_load %arg6[%get3A_674, %get3A_675] {strides = array<i32>} : memref<514x128xf32, #tpu.memory_space<vmem>>, vector<1x16xf32>,
        %get3A_677 = vector.shape_cast %get3A_676 : vector<1x16xf32> to vector<16xf32>
        %eq3A_678 = arith.constant 12 : i32
        %eq3A_679 = vector.broadcast %eq3A_678 : i32 to vector<16xi32>
        %eq3A_680 = arith.cmpi eq, %iota3A, %eq3A_679 : vector<16xi32>
        %add3A_681 = arith.addf %select_n3A_665, %get3A_677 : vector<16xf32>
        %select_n3A_682 = arith.select %eq3A_680, %add3A_681, %select_n3A_665 : vector<16xi1>, vector<16xf32>
        %mul3A_683 = arith.constant 64 : i32
        %mul3A_684 = arith.muli %scan3A_437, %mul3A_683 : i32
        %add3A_685 = arith.constant 1 : i32
        %add3A_686 = arith.addi %add3A_685, %mul3A_684 : i32
        %add3A_687 = arith.constant 13 : i32
        %add3A_688 = arith.addi %add3A_686, %add3A_687 : i32
        %sub3A_689 = arith.constant 13 : i32
        %sub3A_690 = arith.subi %select_n3A_461, %sub3A_689 : i32
        %get3A_691 = arith.index_cast %add3A_688 : i32 to index
        %get3A_692 = arith.index_cast %sub3A_690 : i32 to index
        %get3A_693 = tpu.vector_load %arg6[%get3A_691, %get3A_692] {strides = array<i32>} : memref<514x128xf32, #tpu.memory_space<vmem>>, vector<1x16xf32>,
        %get3A_694 = vector.shape_cast %get3A_693 : vector<1x16xf32> to vector<16xf32>
        %eq3A_695 = arith.constant 13 : i32
        %eq3A_696 = vector.broadcast %eq3A_695 : i32 to vector<16xi32>
        %eq3A_697 = arith.cmpi eq, %iota3A, %eq3A_696 : vector<16xi32>
        %add3A_698 = arith.addf %select_n3A_682, %get3A_694 : vector<16xf32>
        %select_n3A_699 = arith.select %eq3A_697, %add3A_698, %select_n3A_682 : vector<16xi1>, vector<16xf32>
        %mul3A_700 = arith.constant 64 : i32
        %mul3A_701 = arith.muli %scan3A_437, %mul3A_700 : i32
        %add3A_702 = arith.constant 1 : i32
        %add3A_703 = arith.addi %add3A_702, %mul3A_701 : i32
        %add3A_704 = arith.constant 14 : i32
        %add3A_705 = arith.addi %add3A_703, %add3A_704 : i32
        %sub3A_706 = arith.constant 14 : i32
        %sub3A_707 = arith.subi %select_n3A_461, %sub3A_706 : i32
        %get3A_708 = arith.index_cast %add3A_705 : i32 to index
        %get3A_709 = arith.index_cast %sub3A_707 : i32 to index
        %get3A_710 = tpu.vector_load %arg6[%get3A_708, %get3A_709] {strides = array<i32>} : memref<514x128xf32, #tpu.memory_space<vmem>>, vector<1x16xf32>,
        %get3A_711 = vector.shape_cast %get3A_710 : vector<1x16xf32> to vector<16xf32>
        %eq3A_712 = arith.constant 14 : i32
        %eq3A_713 = vector.broadcast %eq3A_712 : i32 to vector<16xi32>
        %eq3A_714 = arith.cmpi eq, %iota3A, %eq3A_713 : vector<16xi32>
        %add3A_715 = arith.addf %select_n3A_699, %get3A_711 : vector<16xf32>
        %select_n3A_716 = arith.select %eq3A_714, %add3A_715, %select_n3A_699 : vector<16xi1>, vector<16xf32>
        %mul3A_717 = arith.constant 64 : i32
        %mul3A_718 = arith.muli %scan3A_437, %mul3A_717 : i32
        %add3A_719 = arith.constant 1 : i32
        %add3A_720 = arith.addi %add3A_719, %mul3A_718 : i32
        %add3A_721 = arith.constant 15 : i32
        %add3A_722 = arith.addi %add3A_720, %add3A_721 : i32
        %sub3A_723 = arith.constant 15 : i32
        %sub3A_724 = arith.subi %select_n3A_461, %sub3A_723 : i32
        %get3A_725 = arith.index_cast %add3A_722 : i32 to index
        %get3A_726 = arith.index_cast %sub3A_724 : i32 to index
        %get3A_727 = tpu.vector_load %arg6[%get3A_725, %get3A_726] {strides = array<i32>} : memref<514x128xf32, #tpu.memory_space<vmem>>, vector<1x16xf32>,
        %get3A_728 = vector.shape_cast %get3A_727 : vector<1x16xf32> to vector<16xf32>
        %eq3A_729 = arith.constant 15 : i32
        %eq3A_730 = vector.broadcast %eq3A_729 : i32 to vector<16xi32>
        %eq3A_731 = arith.cmpi eq, %iota3A, %eq3A_730 : vector<16xi32>
        %add3A_732 = arith.addf %select_n3A_716, %get3A_728 : vector<16xf32>
        %select_n3A_733 = arith.select %eq3A_731, %add3A_732, %select_n3A_716 : vector<16xi1>, vector<16xf32>
        %mul3A_734 = arith.constant 64 : i32
        %mul3A_735 = arith.muli %scan3A_437, %mul3A_734 : i32
        %add3A_736 = arith.constant 1 : i32
        %add3A_737 = arith.addi %add3A_736, %mul3A_735 : i32
        %add3A_738 = arith.constant 16 : i32
        %add3A_739 = arith.addi %add3A_737, %add3A_738 : i32
        %sub3A_740 = arith.constant 0 : i32
        %sub3A_741 = arith.subi %select_n3A_461, %sub3A_740 : i32
        %get3A_742 = arith.index_cast %add3A_739 : i32 to index
        %get3A_743 = arith.index_cast %sub3A_741 : i32 to index
        %get3A_744 = tpu.vector_load %arg6[%get3A_742, %get3A_743] {strides = array<i32>} : memref<514x128xf32, #tpu.memory_space<vmem>>, vector<1x16xf32>,
        %get3A_745 = vector.shape_cast %get3A_744 : vector<1x16xf32> to vector<16xf32>
        %eq3A_746 = arith.constant 0 : i32
        %eq3A_747 = vector.broadcast %eq3A_746 : i32 to vector<16xi32>
        %eq3A_748 = arith.cmpi eq, %iota3A, %eq3A_747 : vector<16xi32>
        %add3A_749 = arith.addf %scan3A_439, %get3A_745 : vector<16xf32>
        %select_n3A_750 = arith.select %eq3A_748, %add3A_749, %scan3A_439 : vector<16xi1>, vector<16xf32>
        %mul3A_751 = arith.constant 64 : i32
        %mul3A_752 = arith.muli %scan3A_437, %mul3A_751 : i32
        %add3A_753 = arith.constant 1 : i32
        %add3A_754 = arith.addi %add3A_753, %mul3A_752 : i32
        %add3A_755 = arith.constant 17 : i32
        %add3A_756 = arith.addi %add3A_754, %add3A_755 : i32
        %sub3A_757 = arith.constant 1 : i32
        %sub3A_758 = arith.subi %select_n3A_461, %sub3A_757 : i32
        %get3A_759 = arith.index_cast %add3A_756 : i32 to index
        %get3A_760 = arith.index_cast %sub3A_758 : i32 to index
        %get3A_761 = tpu.vector_load %arg6[%get3A_759, %get3A_760] {strides = array<i32>} : memref<514x128xf32, #tpu.memory_space<vmem>>, vector<1x16xf32>,
        %get3A_762 = vector.shape_cast %get3A_761 : vector<1x16xf32> to vector<16xf32>
        %eq3A_763 = arith.constant 1 : i32
        %eq3A_764 = vector.broadcast %eq3A_763 : i32 to vector<16xi32>
        %eq3A_765 = arith.cmpi eq, %iota3A, %eq3A_764 : vector<16xi32>
        %add3A_766 = arith.addf %select_n3A_750, %get3A_762 : vector<16xf32>
        %select_n3A_767 = arith.select %eq3A_765, %add3A_766, %select_n3A_750 : vector<16xi1>, vector<16xf32>
        %mul3A_768 = arith.constant 64 : i32
        %mul3A_769 = arith.muli %scan3A_437, %mul3A_768 : i32
        %add3A_770 = arith.constant 1 : i32
        %add3A_771 = arith.addi %add3A_770, %mul3A_769 : i32
        %add3A_772 = arith.constant 18 : i32
        %add3A_773 = arith.addi %add3A_771, %add3A_772 : i32
        %sub3A_774 = arith.constant 2 : i32
        %sub3A_775 = arith.subi %select_n3A_461, %sub3A_774 : i32
        %get3A_776 = arith.index_cast %add3A_773 : i32 to index
        %get3A_777 = arith.index_cast %sub3A_775 : i32 to index
        %get3A_778 = tpu.vector_load %arg6[%get3A_776, %get3A_777] {strides = array<i32>} : memref<514x128xf32, #tpu.memory_space<vmem>>, vector<1x16xf32>,
        %get3A_779 = vector.shape_cast %get3A_778 : vector<1x16xf32> to vector<16xf32>
        %eq3A_780 = arith.constant 2 : i32
        %eq3A_781 = vector.broadcast %eq3A_780 : i32 to vector<16xi32>
        %eq3A_782 = arith.cmpi eq, %iota3A, %eq3A_781 : vector<16xi32>
        %add3A_783 = arith.addf %select_n3A_767, %get3A_779 : vector<16xf32>
        %select_n3A_784 = arith.select %eq3A_782, %add3A_783, %select_n3A_767 : vector<16xi1>, vector<16xf32>
        %mul3A_785 = arith.constant 64 : i32
        %mul3A_786 = arith.muli %scan3A_437, %mul3A_785 : i32
        %add3A_787 = arith.constant 1 : i32
        %add3A_788 = arith.addi %add3A_787, %mul3A_786 : i32
        %add3A_789 = arith.constant 19 : i32
        %add3A_790 = arith.addi %add3A_788, %add3A_789 : i32
        %sub3A_791 = arith.constant 3 : i32
        %sub3A_792 = arith.subi %select_n3A_461, %sub3A_791 : i32
        %get3A_793 = arith.index_cast %add3A_790 : i32 to index
        %get3A_794 = arith.index_cast %sub3A_792 : i32 to index
        %get3A_795 = tpu.vector_load %arg6[%get3A_793, %get3A_794] {strides = array<i32>} : memref<514x128xf32, #tpu.memory_space<vmem>>, vector<1x16xf32>,
        %get3A_796 = vector.shape_cast %get3A_795 : vector<1x16xf32> to vector<16xf32>
        %eq3A_797 = arith.constant 3 : i32
        %eq3A_798 = vector.broadcast %eq3A_797 : i32 to vector<16xi32>
        %eq3A_799 = arith.cmpi eq, %iota3A, %eq3A_798 : vector<16xi32>
        %add3A_800 = arith.addf %select_n3A_784, %get3A_796 : vector<16xf32>
        %select_n3A_801 = arith.select %eq3A_799, %add3A_800, %select_n3A_784 : vector<16xi1>, vector<16xf32>
        %mul3A_802 = arith.constant 64 : i32
        %mul3A_803 = arith.muli %scan3A_437, %mul3A_802 : i32
        %add3A_804 = arith.constant 1 : i32
        %add3A_805 = arith.addi %add3A_804, %mul3A_803 : i32
        %add3A_806 = arith.constant 20 : i32
        %add3A_807 = arith.addi %add3A_805, %add3A_806 : i32
        %sub3A_808 = arith.constant 4 : i32
        %sub3A_809 = arith.subi %select_n3A_461, %sub3A_808 : i32
        %get3A_810 = arith.index_cast %add3A_807 : i32 to index
        %get3A_811 = arith.index_cast %sub3A_809 : i32 to index
        %get3A_812 = tpu.vector_load %arg6[%get3A_810, %get3A_811] {strides = array<i32>} : memref<514x128xf32, #tpu.memory_space<vmem>>, vector<1x16xf32>,
        %get3A_813 = vector.shape_cast %get3A_812 : vector<1x16xf32> to vector<16xf32>
        %eq3A_814 = arith.constant 4 : i32
        %eq3A_815 = vector.broadcast %eq3A_814 : i32 to vector<16xi32>
        %eq3A_816 = arith.cmpi eq, %iota3A, %eq3A_815 : vector<16xi32>
        %add3A_817 = arith.addf %select_n3A_801, %get3A_813 : vector<16xf32>
        %select_n3A_818 = arith.select %eq3A_816, %add3A_817, %select_n3A_801 : vector<16xi1>, vector<16xf32>
        %mul3A_819 = arith.constant 64 : i32
        %mul3A_820 = arith.muli %scan3A_437, %mul3A_819 : i32
        %add3A_821 = arith.constant 1 : i32
        %add3A_822 = arith.addi %add3A_821, %mul3A_820 : i32
        %add3A_823 = arith.constant 21 : i32
        %add3A_824 = arith.addi %add3A_822, %add3A_823 : i32
        %sub3A_825 = arith.constant 5 : i32
        %sub3A_826 = arith.subi %select_n3A_461, %sub3A_825 : i32
        %get3A_827 = arith.index_cast %add3A_824 : i32 to index
        %get3A_828 = arith.index_cast %sub3A_826 : i32 to index
        %get3A_829 = tpu.vector_load %arg6[%get3A_827, %get3A_828] {strides = array<i32>} : memref<514x128xf32, #tpu.memory_space<vmem>>, vector<1x16xf32>,
        %get3A_830 = vector.shape_cast %get3A_829 : vector<1x16xf32> to vector<16xf32>
        %eq3A_831 = arith.constant 5 : i32
        %eq3A_832 = vector.broadcast %eq3A_831 : i32 to vector<16xi32>
        %eq3A_833 = arith.cmpi eq, %iota3A, %eq3A_832 : vector<16xi32>
        %add3A_834 = arith.addf %select_n3A_818, %get3A_830 : vector<16xf32>
        %select_n3A_835 = arith.select %eq3A_833, %add3A_834, %select_n3A_818 : vector<16xi1>, vector<16xf32>
        %mul3A_836 = arith.constant 64 : i32
        %mul3A_837 = arith.muli %scan3A_437, %mul3A_836 : i32
        %add3A_838 = arith.constant 1 : i32
        %add3A_839 = arith.addi %add3A_838, %mul3A_837 : i32
        %add3A_840 = arith.constant 22 : i32
        %add3A_841 = arith.addi %add3A_839, %add3A_840 : i32
        %sub3A_842 = arith.constant 6 : i32
        %sub3A_843 = arith.subi %select_n3A_461, %sub3A_842 : i32
        %get3A_844 = arith.index_cast %add3A_841 : i32 to index
        %get3A_845 = arith.index_cast %sub3A_843 : i32 to index
        %get3A_846 = tpu.vector_load %arg6[%get3A_844, %get3A_845] {strides = array<i32>} : memref<514x128xf32, #tpu.memory_space<vmem>>, vector<1x16xf32>,
        %get3A_847 = vector.shape_cast %get3A_846 : vector<1x16xf32> to vector<16xf32>
        %eq3A_848 = arith.constant 6 : i32
        %eq3A_849 = vector.broadcast %eq3A_848 : i32 to vector<16xi32>
        %eq3A_850 = arith.cmpi eq, %iota3A, %eq3A_849 : vector<16xi32>
        %add3A_851 = arith.addf %select_n3A_835, %get3A_847 : vector<16xf32>
        %select_n3A_852 = arith.select %eq3A_850, %add3A_851, %select_n3A_835 : vector<16xi1>, vector<16xf32>
        %mul3A_853 = arith.constant 64 : i32
        %mul3A_854 = arith.muli %scan3A_437, %mul3A_853 : i32
        %add3A_855 = arith.constant 1 : i32
        %add3A_856 = arith.addi %add3A_855, %mul3A_854 : i32
        %add3A_857 = arith.constant 23 : i32
        %add3A_858 = arith.addi %add3A_856, %add3A_857 : i32
        %sub3A_859 = arith.constant 7 : i32
        %sub3A_860 = arith.subi %select_n3A_461, %sub3A_859 : i32
        %get3A_861 = arith.index_cast %add3A_858 : i32 to index
        %get3A_862 = arith.index_cast %sub3A_860 : i32 to index
        %get3A_863 = tpu.vector_load %arg6[%get3A_861, %get3A_862] {strides = array<i32>} : memref<514x128xf32, #tpu.memory_space<vmem>>, vector<1x16xf32>,
        %get3A_864 = vector.shape_cast %get3A_863 : vector<1x16xf32> to vector<16xf32>
        %eq3A_865 = arith.constant 7 : i32
        %eq3A_866 = vector.broadcast %eq3A_865 : i32 to vector<16xi32>
        %eq3A_867 = arith.cmpi eq, %iota3A, %eq3A_866 : vector<16xi32>
        %add3A_868 = arith.addf %select_n3A_852, %get3A_864 : vector<16xf32>
        %select_n3A_869 = arith.select %eq3A_867, %add3A_868, %select_n3A_852 : vector<16xi1>, vector<16xf32>
        %mul3A_870 = arith.constant 64 : i32
        %mul3A_871 = arith.muli %scan3A_437, %mul3A_870 : i32
        %add3A_872 = arith.constant 1 : i32
        %add3A_873 = arith.addi %add3A_872, %mul3A_871 : i32
        %add3A_874 = arith.constant 24 : i32
        %add3A_875 = arith.addi %add3A_873, %add3A_874 : i32
        %sub3A_876 = arith.constant 8 : i32
        %sub3A_877 = arith.subi %select_n3A_461, %sub3A_876 : i32
        %get3A_878 = arith.index_cast %add3A_875 : i32 to index
        %get3A_879 = arith.index_cast %sub3A_877 : i32 to index
        %get3A_880 = tpu.vector_load %arg6[%get3A_878, %get3A_879] {strides = array<i32>} : memref<514x128xf32, #tpu.memory_space<vmem>>, vector<1x16xf32>,
        %get3A_881 = vector.shape_cast %get3A_880 : vector<1x16xf32> to vector<16xf32>
        %eq3A_882 = arith.constant 8 : i32
        %eq3A_883 = vector.broadcast %eq3A_882 : i32 to vector<16xi32>
        %eq3A_884 = arith.cmpi eq, %iota3A, %eq3A_883 : vector<16xi32>
        %add3A_885 = arith.addf %select_n3A_869, %get3A_881 : vector<16xf32>
        %select_n3A_886 = arith.select %eq3A_884, %add3A_885, %select_n3A_869 : vector<16xi1>, vector<16xf32>
        %mul3A_887 = arith.constant 64 : i32
        %mul3A_888 = arith.muli %scan3A_437, %mul3A_887 : i32
        %add3A_889 = arith.constant 1 : i32
        %add3A_890 = arith.addi %add3A_889, %mul3A_888 : i32
        %add3A_891 = arith.constant 25 : i32
        %add3A_892 = arith.addi %add3A_890, %add3A_891 : i32
        %sub3A_893 = arith.constant 9 : i32
        %sub3A_894 = arith.subi %select_n3A_461, %sub3A_893 : i32
        %get3A_895 = arith.index_cast %add3A_892 : i32 to index
        %get3A_896 = arith.index_cast %sub3A_894 : i32 to index
        %get3A_897 = tpu.vector_load %arg6[%get3A_895, %get3A_896] {strides = array<i32>} : memref<514x128xf32, #tpu.memory_space<vmem>>, vector<1x16xf32>,
        %get3A_898 = vector.shape_cast %get3A_897 : vector<1x16xf32> to vector<16xf32>
        %eq3A_899 = arith.constant 9 : i32
        %eq3A_900 = vector.broadcast %eq3A_899 : i32 to vector<16xi32>
        %eq3A_901 = arith.cmpi eq, %iota3A, %eq3A_900 : vector<16xi32>
        %add3A_902 = arith.addf %select_n3A_886, %get3A_898 : vector<16xf32>
        %select_n3A_903 = arith.select %eq3A_901, %add3A_902, %select_n3A_886 : vector<16xi1>, vector<16xf32>
        %mul3A_904 = arith.constant 64 : i32
        %mul3A_905 = arith.muli %scan3A_437, %mul3A_904 : i32
        %add3A_906 = arith.constant 1 : i32
        %add3A_907 = arith.addi %add3A_906, %mul3A_905 : i32
        %add3A_908 = arith.constant 26 : i32
        %add3A_909 = arith.addi %add3A_907, %add3A_908 : i32
        %sub3A_910 = arith.constant 10 : i32
        %sub3A_911 = arith.subi %select_n3A_461, %sub3A_910 : i32
        %get3A_912 = arith.index_cast %add3A_909 : i32 to index
        %get3A_913 = arith.index_cast %sub3A_911 : i32 to index
        %get3A_914 = tpu.vector_load %arg6[%get3A_912, %get3A_913] {strides = array<i32>} : memref<514x128xf32, #tpu.memory_space<vmem>>, vector<1x16xf32>,
        %get3A_915 = vector.shape_cast %get3A_914 : vector<1x16xf32> to vector<16xf32>
        %eq3A_916 = arith.constant 10 : i32
        %eq3A_917 = vector.broadcast %eq3A_916 : i32 to vector<16xi32>
        %eq3A_918 = arith.cmpi eq, %iota3A, %eq3A_917 : vector<16xi32>
        %add3A_919 = arith.addf %select_n3A_903, %get3A_915 : vector<16xf32>
        %select_n3A_920 = arith.select %eq3A_918, %add3A_919, %select_n3A_903 : vector<16xi1>, vector<16xf32>
        %mul3A_921 = arith.constant 64 : i32
        %mul3A_922 = arith.muli %scan3A_437, %mul3A_921 : i32
        %add3A_923 = arith.constant 1 : i32
        %add3A_924 = arith.addi %add3A_923, %mul3A_922 : i32
        %add3A_925 = arith.constant 27 : i32
        %add3A_926 = arith.addi %add3A_924, %add3A_925 : i32
        %sub3A_927 = arith.constant 11 : i32
        %sub3A_928 = arith.subi %select_n3A_461, %sub3A_927 : i32
        %get3A_929 = arith.index_cast %add3A_926 : i32 to index
        %get3A_930 = arith.index_cast %sub3A_928 : i32 to index
        %get3A_931 = tpu.vector_load %arg6[%get3A_929, %get3A_930] {strides = array<i32>} : memref<514x128xf32, #tpu.memory_space<vmem>>, vector<1x16xf32>,
        %get3A_932 = vector.shape_cast %get3A_931 : vector<1x16xf32> to vector<16xf32>
        %eq3A_933 = arith.constant 11 : i32
        %eq3A_934 = vector.broadcast %eq3A_933 : i32 to vector<16xi32>
        %eq3A_935 = arith.cmpi eq, %iota3A, %eq3A_934 : vector<16xi32>
        %add3A_936 = arith.addf %select_n3A_920, %get3A_932 : vector<16xf32>
        %select_n3A_937 = arith.select %eq3A_935, %add3A_936, %select_n3A_920 : vector<16xi1>, vector<16xf32>
        %mul3A_938 = arith.constant 64 : i32
        %mul3A_939 = arith.muli %scan3A_437, %mul3A_938 : i32
        %add3A_940 = arith.constant 1 : i32
        %add3A_941 = arith.addi %add3A_940, %mul3A_939 : i32
        %add3A_942 = arith.constant 28 : i32
        %add3A_943 = arith.addi %add3A_941, %add3A_942 : i32
        %sub3A_944 = arith.constant 12 : i32
        %sub3A_945 = arith.subi %select_n3A_461, %sub3A_944 : i32
        %get3A_946 = arith.index_cast %add3A_943 : i32 to index
        %get3A_947 = arith.index_cast %sub3A_945 : i32 to index
        %get3A_948 = tpu.vector_load %arg6[%get3A_946, %get3A_947] {strides = array<i32>} : memref<514x128xf32, #tpu.memory_space<vmem>>, vector<1x16xf32>,
        %get3A_949 = vector.shape_cast %get3A_948 : vector<1x16xf32> to vector<16xf32>
        %eq3A_950 = arith.constant 12 : i32
        %eq3A_951 = vector.broadcast %eq3A_950 : i32 to vector<16xi32>
        %eq3A_952 = arith.cmpi eq, %iota3A, %eq3A_951 : vector<16xi32>
        %add3A_953 = arith.addf %select_n3A_937, %get3A_949 : vector<16xf32>
        %select_n3A_954 = arith.select %eq3A_952, %add3A_953, %select_n3A_937 : vector<16xi1>, vector<16xf32>
        %mul3A_955 = arith.constant 64 : i32
        %mul3A_956 = arith.muli %scan3A_437, %mul3A_955 : i32
        %add3A_957 = arith.constant 1 : i32
        %add3A_958 = arith.addi %add3A_957, %mul3A_956 : i32
        %add3A_959 = arith.constant 29 : i32
        %add3A_960 = arith.addi %add3A_958, %add3A_959 : i32
        %sub3A_961 = arith.constant 13 : i32
        %sub3A_962 = arith.subi %select_n3A_461, %sub3A_961 : i32
        %get3A_963 = arith.index_cast %add3A_960 : i32 to index
        %get3A_964 = arith.index_cast %sub3A_962 : i32 to index
        %get3A_965 = tpu.vector_load %arg6[%get3A_963, %get3A_964] {strides = array<i32>} : memref<514x128xf32, #tpu.memory_space<vmem>>, vector<1x16xf32>,
        %get3A_966 = vector.shape_cast %get3A_965 : vector<1x16xf32> to vector<16xf32>
        %eq3A_967 = arith.constant 13 : i32
        %eq3A_968 = vector.broadcast %eq3A_967 : i32 to vector<16xi32>
        %eq3A_969 = arith.cmpi eq, %iota3A, %eq3A_968 : vector<16xi32>
        %add3A_970 = arith.addf %select_n3A_954, %get3A_966 : vector<16xf32>
        %select_n3A_971 = arith.select %eq3A_969, %add3A_970, %select_n3A_954 : vector<16xi1>, vector<16xf32>
        %mul3A_972 = arith.constant 64 : i32
        %mul3A_973 = arith.muli %scan3A_437, %mul3A_972 : i32
        %add3A_974 = arith.constant 1 : i32
        %add3A_975 = arith.addi %add3A_974, %mul3A_973 : i32
        %add3A_976 = arith.constant 30 : i32
        %add3A_977 = arith.addi %add3A_975, %add3A_976 : i32
        %sub3A_978 = arith.constant 14 : i32
        %sub3A_979 = arith.subi %select_n3A_461, %sub3A_978 : i32
        %get3A_980 = arith.index_cast %add3A_977 : i32 to index
        %get3A_981 = arith.index_cast %sub3A_979 : i32 to index
        %get3A_982 = tpu.vector_load %arg6[%get3A_980, %get3A_981] {strides = array<i32>} : memref<514x128xf32, #tpu.memory_space<vmem>>, vector<1x16xf32>,
        %get3A_983 = vector.shape_cast %get3A_982 : vector<1x16xf32> to vector<16xf32>
        %eq3A_984 = arith.constant 14 : i32
        %eq3A_985 = vector.broadcast %eq3A_984 : i32 to vector<16xi32>
        %eq3A_986 = arith.cmpi eq, %iota3A, %eq3A_985 : vector<16xi32>
        %add3A_987 = arith.addf %select_n3A_971, %get3A_983 : vector<16xf32>
        %select_n3A_988 = arith.select %eq3A_986, %add3A_987, %select_n3A_971 : vector<16xi1>, vector<16xf32>
        %mul3A_989 = arith.constant 64 : i32
        %mul3A_990 = arith.muli %scan3A_437, %mul3A_989 : i32
        %add3A_991 = arith.constant 1 : i32
        %add3A_992 = arith.addi %add3A_991, %mul3A_990 : i32
        %add3A_993 = arith.constant 31 : i32
        %add3A_994 = arith.addi %add3A_992, %add3A_993 : i32
        %sub3A_995 = arith.constant 15 : i32
        %sub3A_996 = arith.subi %select_n3A_461, %sub3A_995 : i32
        %get3A_997 = arith.index_cast %add3A_994 : i32 to index
        %get3A_998 = arith.index_cast %sub3A_996 : i32 to index
        %get3A_999 = tpu.vector_load %arg6[%get3A_997, %get3A_998] {strides = array<i32>} : memref<514x128xf32, #tpu.memory_space<vmem>>, vector<1x16xf32>,
        %get3A_1000 = vector.shape_cast %get3A_999 : vector<1x16xf32> to vector<16xf32>
        %eq3A_1001 = arith.constant 15 : i32
        %eq3A_1002 = vector.broadcast %eq3A_1001 : i32 to vector<16xi32>
        %eq3A_1003 = arith.cmpi eq, %iota3A, %eq3A_1002 : vector<16xi32>
        %add3A_1004 = arith.addf %select_n3A_988, %get3A_1000 : vector<16xf32>
        %select_n3A_1005 = arith.select %eq3A_1003, %add3A_1004, %select_n3A_988 : vector<16xi1>, vector<16xf32>
        %mul3A_1006 = arith.constant 64 : i32
        %mul3A_1007 = arith.muli %scan3A_437, %mul3A_1006 : i32
        %add3A_1008 = arith.constant 1 : i32
        %add3A_1009 = arith.addi %add3A_1008, %mul3A_1007 : i32
        %add3A_1010 = arith.constant 32 : i32
        %add3A_1011 = arith.addi %add3A_1009, %add3A_1010 : i32
        %sub3A_1012 = arith.constant 0 : i32
        %sub3A_1013 = arith.subi %select_n3A_461, %sub3A_1012 : i32
        %get3A_1014 = arith.index_cast %add3A_1011 : i32 to index
        %get3A_1015 = arith.index_cast %sub3A_1013 : i32 to index
        %get3A_1016 = tpu.vector_load %arg6[%get3A_1014, %get3A_1015] {strides = array<i32>} : memref<514x128xf32, #tpu.memory_space<vmem>>, vector<1x16xf32>,
        %get3A_1017 = vector.shape_cast %get3A_1016 : vector<1x16xf32> to vector<16xf32>
        %eq3A_1018 = arith.constant 0 : i32
        %eq3A_1019 = vector.broadcast %eq3A_1018 : i32 to vector<16xi32>
        %eq3A_1020 = arith.cmpi eq, %iota3A, %eq3A_1019 : vector<16xi32>
        %add3A_1021 = arith.addf %scan3A_440, %get3A_1017 : vector<16xf32>
        %select_n3A_1022 = arith.select %eq3A_1020, %add3A_1021, %scan3A_440 : vector<16xi1>, vector<16xf32>
        %mul3A_1023 = arith.constant 64 : i32
        %mul3A_1024 = arith.muli %scan3A_437, %mul3A_1023 : i32
        %add3A_1025 = arith.constant 1 : i32
        %add3A_1026 = arith.addi %add3A_1025, %mul3A_1024 : i32
        %add3A_1027 = arith.constant 33 : i32
        %add3A_1028 = arith.addi %add3A_1026, %add3A_1027 : i32
        %sub3A_1029 = arith.constant 1 : i32
        %sub3A_1030 = arith.subi %select_n3A_461, %sub3A_1029 : i32
        %get3A_1031 = arith.index_cast %add3A_1028 : i32 to index
        %get3A_1032 = arith.index_cast %sub3A_1030 : i32 to index
        %get3A_1033 = tpu.vector_load %arg6[%get3A_1031, %get3A_1032] {strides = array<i32>} : memref<514x128xf32, #tpu.memory_space<vmem>>, vector<1x16xf32>,
        %get3A_1034 = vector.shape_cast %get3A_1033 : vector<1x16xf32> to vector<16xf32>
        %eq3A_1035 = arith.constant 1 : i32
        %eq3A_1036 = vector.broadcast %eq3A_1035 : i32 to vector<16xi32>
        %eq3A_1037 = arith.cmpi eq, %iota3A, %eq3A_1036 : vector<16xi32>
        %add3A_1038 = arith.addf %select_n3A_1022, %get3A_1034 : vector<16xf32>
        %select_n3A_1039 = arith.select %eq3A_1037, %add3A_1038, %select_n3A_1022 : vector<16xi1>, vector<16xf32>
        %mul3A_1040 = arith.constant 64 : i32
        %mul3A_1041 = arith.muli %scan3A_437, %mul3A_1040 : i32
        %add3A_1042 = arith.constant 1 : i32
        %add3A_1043 = arith.addi %add3A_1042, %mul3A_1041 : i32
        %add3A_1044 = arith.constant 34 : i32
        %add3A_1045 = arith.addi %add3A_1043, %add3A_1044 : i32
        %sub3A_1046 = arith.constant 2 : i32
        %sub3A_1047 = arith.subi %select_n3A_461, %sub3A_1046 : i32
        %get3A_1048 = arith.index_cast %add3A_1045 : i32 to index
        %get3A_1049 = arith.index_cast %sub3A_1047 : i32 to index
        %get3A_1050 = tpu.vector_load %arg6[%get3A_1048, %get3A_1049] {strides = array<i32>} : memref<514x128xf32, #tpu.memory_space<vmem>>, vector<1x16xf32>,
        %get3A_1051 = vector.shape_cast %get3A_1050 : vector<1x16xf32> to vector<16xf32>
        %eq3A_1052 = arith.constant 2 : i32
        %eq3A_1053 = vector.broadcast %eq3A_1052 : i32 to vector<16xi32>
        %eq3A_1054 = arith.cmpi eq, %iota3A, %eq3A_1053 : vector<16xi32>
        %add3A_1055 = arith.addf %select_n3A_1039, %get3A_1051 : vector<16xf32>
        %select_n3A_1056 = arith.select %eq3A_1054, %add3A_1055, %select_n3A_1039 : vector<16xi1>, vector<16xf32>
        %mul3A_1057 = arith.constant 64 : i32
        %mul3A_1058 = arith.muli %scan3A_437, %mul3A_1057 : i32
        %add3A_1059 = arith.constant 1 : i32
        %add3A_1060 = arith.addi %add3A_1059, %mul3A_1058 : i32
        %add3A_1061 = arith.constant 35 : i32
        %add3A_1062 = arith.addi %add3A_1060, %add3A_1061 : i32
        %sub3A_1063 = arith.constant 3 : i32
        %sub3A_1064 = arith.subi %select_n3A_461, %sub3A_1063 : i32
        %get3A_1065 = arith.index_cast %add3A_1062 : i32 to index
        %get3A_1066 = arith.index_cast %sub3A_1064 : i32 to index
        %get3A_1067 = tpu.vector_load %arg6[%get3A_1065, %get3A_1066] {strides = array<i32>} : memref<514x128xf32, #tpu.memory_space<vmem>>, vector<1x16xf32>,
        %get3A_1068 = vector.shape_cast %get3A_1067 : vector<1x16xf32> to vector<16xf32>
        %eq3A_1069 = arith.constant 3 : i32
        %eq3A_1070 = vector.broadcast %eq3A_1069 : i32 to vector<16xi32>
        %eq3A_1071 = arith.cmpi eq, %iota3A, %eq3A_1070 : vector<16xi32>
        %add3A_1072 = arith.addf %select_n3A_1056, %get3A_1068 : vector<16xf32>
        %select_n3A_1073 = arith.select %eq3A_1071, %add3A_1072, %select_n3A_1056 : vector<16xi1>, vector<16xf32>
        %mul3A_1074 = arith.constant 64 : i32
        %mul3A_1075 = arith.muli %scan3A_437, %mul3A_1074 : i32
        %add3A_1076 = arith.constant 1 : i32
        %add3A_1077 = arith.addi %add3A_1076, %mul3A_1075 : i32
        %add3A_1078 = arith.constant 36 : i32
        %add3A_1079 = arith.addi %add3A_1077, %add3A_1078 : i32
        %sub3A_1080 = arith.constant 4 : i32
        %sub3A_1081 = arith.subi %select_n3A_461, %sub3A_1080 : i32
        %get3A_1082 = arith.index_cast %add3A_1079 : i32 to index
        %get3A_1083 = arith.index_cast %sub3A_1081 : i32 to index
        %get3A_1084 = tpu.vector_load %arg6[%get3A_1082, %get3A_1083] {strides = array<i32>} : memref<514x128xf32, #tpu.memory_space<vmem>>, vector<1x16xf32>,
        %get3A_1085 = vector.shape_cast %get3A_1084 : vector<1x16xf32> to vector<16xf32>
        %eq3A_1086 = arith.constant 4 : i32
        %eq3A_1087 = vector.broadcast %eq3A_1086 : i32 to vector<16xi32>
        %eq3A_1088 = arith.cmpi eq, %iota3A, %eq3A_1087 : vector<16xi32>
        %add3A_1089 = arith.addf %select_n3A_1073, %get3A_1085 : vector<16xf32>
        %select_n3A_1090 = arith.select %eq3A_1088, %add3A_1089, %select_n3A_1073 : vector<16xi1>, vector<16xf32>
        %mul3A_1091 = arith.constant 64 : i32
        %mul3A_1092 = arith.muli %scan3A_437, %mul3A_1091 : i32
        %add3A_1093 = arith.constant 1 : i32
        %add3A_1094 = arith.addi %add3A_1093, %mul3A_1092 : i32
        %add3A_1095 = arith.constant 37 : i32
        %add3A_1096 = arith.addi %add3A_1094, %add3A_1095 : i32
        %sub3A_1097 = arith.constant 5 : i32
        %sub3A_1098 = arith.subi %select_n3A_461, %sub3A_1097 : i32
        %get3A_1099 = arith.index_cast %add3A_1096 : i32 to index
        %get3A_1100 = arith.index_cast %sub3A_1098 : i32 to index
        %get3A_1101 = tpu.vector_load %arg6[%get3A_1099, %get3A_1100] {strides = array<i32>} : memref<514x128xf32, #tpu.memory_space<vmem>>, vector<1x16xf32>,
        %get3A_1102 = vector.shape_cast %get3A_1101 : vector<1x16xf32> to vector<16xf32>
        %eq3A_1103 = arith.constant 5 : i32
        %eq3A_1104 = vector.broadcast %eq3A_1103 : i32 to vector<16xi32>
        %eq3A_1105 = arith.cmpi eq, %iota3A, %eq3A_1104 : vector<16xi32>
        %add3A_1106 = arith.addf %select_n3A_1090, %get3A_1102 : vector<16xf32>
        %select_n3A_1107 = arith.select %eq3A_1105, %add3A_1106, %select_n3A_1090 : vector<16xi1>, vector<16xf32>
        %mul3A_1108 = arith.constant 64 : i32
        %mul3A_1109 = arith.muli %scan3A_437, %mul3A_1108 : i32
        %add3A_1110 = arith.constant 1 : i32
        %add3A_1111 = arith.addi %add3A_1110, %mul3A_1109 : i32
        %add3A_1112 = arith.constant 38 : i32
        %add3A_1113 = arith.addi %add3A_1111, %add3A_1112 : i32
        %sub3A_1114 = arith.constant 6 : i32
        %sub3A_1115 = arith.subi %select_n3A_461, %sub3A_1114 : i32
        %get3A_1116 = arith.index_cast %add3A_1113 : i32 to index
        %get3A_1117 = arith.index_cast %sub3A_1115 : i32 to index
        %get3A_1118 = tpu.vector_load %arg6[%get3A_1116, %get3A_1117] {strides = array<i32>} : memref<514x128xf32, #tpu.memory_space<vmem>>, vector<1x16xf32>,
        %get3A_1119 = vector.shape_cast %get3A_1118 : vector<1x16xf32> to vector<16xf32>
        %eq3A_1120 = arith.constant 6 : i32
        %eq3A_1121 = vector.broadcast %eq3A_1120 : i32 to vector<16xi32>
        %eq3A_1122 = arith.cmpi eq, %iota3A, %eq3A_1121 : vector<16xi32>
        %add3A_1123 = arith.addf %select_n3A_1107, %get3A_1119 : vector<16xf32>
        %select_n3A_1124 = arith.select %eq3A_1122, %add3A_1123, %select_n3A_1107 : vector<16xi1>, vector<16xf32>
        %mul3A_1125 = arith.constant 64 : i32
        %mul3A_1126 = arith.muli %scan3A_437, %mul3A_1125 : i32
        %add3A_1127 = arith.constant 1 : i32
        %add3A_1128 = arith.addi %add3A_1127, %mul3A_1126 : i32
        %add3A_1129 = arith.constant 39 : i32
        %add3A_1130 = arith.addi %add3A_1128, %add3A_1129 : i32
        %sub3A_1131 = arith.constant 7 : i32
        %sub3A_1132 = arith.subi %select_n3A_461, %sub3A_1131 : i32
        %get3A_1133 = arith.index_cast %add3A_1130 : i32 to index
        %get3A_1134 = arith.index_cast %sub3A_1132 : i32 to index
        %get3A_1135 = tpu.vector_load %arg6[%get3A_1133, %get3A_1134] {strides = array<i32>} : memref<514x128xf32, #tpu.memory_space<vmem>>, vector<1x16xf32>,
        %get3A_1136 = vector.shape_cast %get3A_1135 : vector<1x16xf32> to vector<16xf32>
        %eq3A_1137 = arith.constant 7 : i32
        %eq3A_1138 = vector.broadcast %eq3A_1137 : i32 to vector<16xi32>
        %eq3A_1139 = arith.cmpi eq, %iota3A, %eq3A_1138 : vector<16xi32>
        %add3A_1140 = arith.addf %select_n3A_1124, %get3A_1136 : vector<16xf32>
        %select_n3A_1141 = arith.select %eq3A_1139, %add3A_1140, %select_n3A_1124 : vector<16xi1>, vector<16xf32>
        %mul3A_1142 = arith.constant 64 : i32
        %mul3A_1143 = arith.muli %scan3A_437, %mul3A_1142 : i32
        %add3A_1144 = arith.constant 1 : i32
        %add3A_1145 = arith.addi %add3A_1144, %mul3A_1143 : i32
        %add3A_1146 = arith.constant 40 : i32
        %add3A_1147 = arith.addi %add3A_1145, %add3A_1146 : i32
        %sub3A_1148 = arith.constant 8 : i32
        %sub3A_1149 = arith.subi %select_n3A_461, %sub3A_1148 : i32
        %get3A_1150 = arith.index_cast %add3A_1147 : i32 to index
        %get3A_1151 = arith.index_cast %sub3A_1149 : i32 to index
        %get3A_1152 = tpu.vector_load %arg6[%get3A_1150, %get3A_1151] {strides = array<i32>} : memref<514x128xf32, #tpu.memory_space<vmem>>, vector<1x16xf32>,
        %get3A_1153 = vector.shape_cast %get3A_1152 : vector<1x16xf32> to vector<16xf32>
        %eq3A_1154 = arith.constant 8 : i32
        %eq3A_1155 = vector.broadcast %eq3A_1154 : i32 to vector<16xi32>
        %eq3A_1156 = arith.cmpi eq, %iota3A, %eq3A_1155 : vector<16xi32>
        %add3A_1157 = arith.addf %select_n3A_1141, %get3A_1153 : vector<16xf32>
        %select_n3A_1158 = arith.select %eq3A_1156, %add3A_1157, %select_n3A_1141 : vector<16xi1>, vector<16xf32>
        %mul3A_1159 = arith.constant 64 : i32
        %mul3A_1160 = arith.muli %scan3A_437, %mul3A_1159 : i32
        %add3A_1161 = arith.constant 1 : i32
        %add3A_1162 = arith.addi %add3A_1161, %mul3A_1160 : i32
        %add3A_1163 = arith.constant 41 : i32
        %add3A_1164 = arith.addi %add3A_1162, %add3A_1163 : i32
        %sub3A_1165 = arith.constant 9 : i32
        %sub3A_1166 = arith.subi %select_n3A_461, %sub3A_1165 : i32
        %get3A_1167 = arith.index_cast %add3A_1164 : i32 to index
        %get3A_1168 = arith.index_cast %sub3A_1166 : i32 to index
        %get3A_1169 = tpu.vector_load %arg6[%get3A_1167, %get3A_1168] {strides = array<i32>} : memref<514x128xf32, #tpu.memory_space<vmem>>, vector<1x16xf32>,
        %get3A_1170 = vector.shape_cast %get3A_1169 : vector<1x16xf32> to vector<16xf32>
        %eq3A_1171 = arith.constant 9 : i32
        %eq3A_1172 = vector.broadcast %eq3A_1171 : i32 to vector<16xi32>
        %eq3A_1173 = arith.cmpi eq, %iota3A, %eq3A_1172 : vector<16xi32>
        %add3A_1174 = arith.addf %select_n3A_1158, %get3A_1170 : vector<16xf32>
        %select_n3A_1175 = arith.select %eq3A_1173, %add3A_1174, %select_n3A_1158 : vector<16xi1>, vector<16xf32>
        %mul3A_1176 = arith.constant 64 : i32
        %mul3A_1177 = arith.muli %scan3A_437, %mul3A_1176 : i32
        %add3A_1178 = arith.constant 1 : i32
        %add3A_1179 = arith.addi %add3A_1178, %mul3A_1177 : i32
        %add3A_1180 = arith.constant 42 : i32
        %add3A_1181 = arith.addi %add3A_1179, %add3A_1180 : i32
        %sub3A_1182 = arith.constant 10 : i32
        %sub3A_1183 = arith.subi %select_n3A_461, %sub3A_1182 : i32
        %get3A_1184 = arith.index_cast %add3A_1181 : i32 to index
        %get3A_1185 = arith.index_cast %sub3A_1183 : i32 to index
        %get3A_1186 = tpu.vector_load %arg6[%get3A_1184, %get3A_1185] {strides = array<i32>} : memref<514x128xf32, #tpu.memory_space<vmem>>, vector<1x16xf32>,
        %get3A_1187 = vector.shape_cast %get3A_1186 : vector<1x16xf32> to vector<16xf32>
        %eq3A_1188 = arith.constant 10 : i32
        %eq3A_1189 = vector.broadcast %eq3A_1188 : i32 to vector<16xi32>
        %eq3A_1190 = arith.cmpi eq, %iota3A, %eq3A_1189 : vector<16xi32>
        %add3A_1191 = arith.addf %select_n3A_1175, %get3A_1187 : vector<16xf32>
        %select_n3A_1192 = arith.select %eq3A_1190, %add3A_1191, %select_n3A_1175 : vector<16xi1>, vector<16xf32>
        %mul3A_1193 = arith.constant 64 : i32
        %mul3A_1194 = arith.muli %scan3A_437, %mul3A_1193 : i32
        %add3A_1195 = arith.constant 1 : i32
        %add3A_1196 = arith.addi %add3A_1195, %mul3A_1194 : i32
        %add3A_1197 = arith.constant 43 : i32
        %add3A_1198 = arith.addi %add3A_1196, %add3A_1197 : i32
        %sub3A_1199 = arith.constant 11 : i32
        %sub3A_1200 = arith.subi %select_n3A_461, %sub3A_1199 : i32
        %get3A_1201 = arith.index_cast %add3A_1198 : i32 to index
        %get3A_1202 = arith.index_cast %sub3A_1200 : i32 to index
        %get3A_1203 = tpu.vector_load %arg6[%get3A_1201, %get3A_1202] {strides = array<i32>} : memref<514x128xf32, #tpu.memory_space<vmem>>, vector<1x16xf32>,
        %get3A_1204 = vector.shape_cast %get3A_1203 : vector<1x16xf32> to vector<16xf32>
        %eq3A_1205 = arith.constant 11 : i32
        %eq3A_1206 = vector.broadcast %eq3A_1205 : i32 to vector<16xi32>
        %eq3A_1207 = arith.cmpi eq, %iota3A, %eq3A_1206 : vector<16xi32>
        %add3A_1208 = arith.addf %select_n3A_1192, %get3A_1204 : vector<16xf32>
        %select_n3A_1209 = arith.select %eq3A_1207, %add3A_1208, %select_n3A_1192 : vector<16xi1>, vector<16xf32>
        %mul3A_1210 = arith.constant 64 : i32
        %mul3A_1211 = arith.muli %scan3A_437, %mul3A_1210 : i32
        %add3A_1212 = arith.constant 1 : i32
        %add3A_1213 = arith.addi %add3A_1212, %mul3A_1211 : i32
        %add3A_1214 = arith.constant 44 : i32
        %add3A_1215 = arith.addi %add3A_1213, %add3A_1214 : i32
        %sub3A_1216 = arith.constant 12 : i32
        %sub3A_1217 = arith.subi %select_n3A_461, %sub3A_1216 : i32
        %get3A_1218 = arith.index_cast %add3A_1215 : i32 to index
        %get3A_1219 = arith.index_cast %sub3A_1217 : i32 to index
        %get3A_1220 = tpu.vector_load %arg6[%get3A_1218, %get3A_1219] {strides = array<i32>} : memref<514x128xf32, #tpu.memory_space<vmem>>, vector<1x16xf32>,
        %get3A_1221 = vector.shape_cast %get3A_1220 : vector<1x16xf32> to vector<16xf32>
        %eq3A_1222 = arith.constant 12 : i32
        %eq3A_1223 = vector.broadcast %eq3A_1222 : i32 to vector<16xi32>
        %eq3A_1224 = arith.cmpi eq, %iota3A, %eq3A_1223 : vector<16xi32>
        %add3A_1225 = arith.addf %select_n3A_1209, %get3A_1221 : vector<16xf32>
        %select_n3A_1226 = arith.select %eq3A_1224, %add3A_1225, %select_n3A_1209 : vector<16xi1>, vector<16xf32>
        %mul3A_1227 = arith.constant 64 : i32
        %mul3A_1228 = arith.muli %scan3A_437, %mul3A_1227 : i32
        %add3A_1229 = arith.constant 1 : i32
        %add3A_1230 = arith.addi %add3A_1229, %mul3A_1228 : i32
        %add3A_1231 = arith.constant 45 : i32
        %add3A_1232 = arith.addi %add3A_1230, %add3A_1231 : i32
        %sub3A_1233 = arith.constant 13 : i32
        %sub3A_1234 = arith.subi %select_n3A_461, %sub3A_1233 : i32
        %get3A_1235 = arith.index_cast %add3A_1232 : i32 to index
        %get3A_1236 = arith.index_cast %sub3A_1234 : i32 to index
        %get3A_1237 = tpu.vector_load %arg6[%get3A_1235, %get3A_1236] {strides = array<i32>} : memref<514x128xf32, #tpu.memory_space<vmem>>, vector<1x16xf32>,
        %get3A_1238 = vector.shape_cast %get3A_1237 : vector<1x16xf32> to vector<16xf32>
        %eq3A_1239 = arith.constant 13 : i32
        %eq3A_1240 = vector.broadcast %eq3A_1239 : i32 to vector<16xi32>
        %eq3A_1241 = arith.cmpi eq, %iota3A, %eq3A_1240 : vector<16xi32>
        %add3A_1242 = arith.addf %select_n3A_1226, %get3A_1238 : vector<16xf32>
        %select_n3A_1243 = arith.select %eq3A_1241, %add3A_1242, %select_n3A_1226 : vector<16xi1>, vector<16xf32>
        %mul3A_1244 = arith.constant 64 : i32
        %mul3A_1245 = arith.muli %scan3A_437, %mul3A_1244 : i32
        %add3A_1246 = arith.constant 1 : i32
        %add3A_1247 = arith.addi %add3A_1246, %mul3A_1245 : i32
        %add3A_1248 = arith.constant 46 : i32
        %add3A_1249 = arith.addi %add3A_1247, %add3A_1248 : i32
        %sub3A_1250 = arith.constant 14 : i32
        %sub3A_1251 = arith.subi %select_n3A_461, %sub3A_1250 : i32
        %get3A_1252 = arith.index_cast %add3A_1249 : i32 to index
        %get3A_1253 = arith.index_cast %sub3A_1251 : i32 to index
        %get3A_1254 = tpu.vector_load %arg6[%get3A_1252, %get3A_1253] {strides = array<i32>} : memref<514x128xf32, #tpu.memory_space<vmem>>, vector<1x16xf32>,
        %get3A_1255 = vector.shape_cast %get3A_1254 : vector<1x16xf32> to vector<16xf32>
        %eq3A_1256 = arith.constant 14 : i32
        %eq3A_1257 = vector.broadcast %eq3A_1256 : i32 to vector<16xi32>
        %eq3A_1258 = arith.cmpi eq, %iota3A, %eq3A_1257 : vector<16xi32>
        %add3A_1259 = arith.addf %select_n3A_1243, %get3A_1255 : vector<16xf32>
        %select_n3A_1260 = arith.select %eq3A_1258, %add3A_1259, %select_n3A_1243 : vector<16xi1>, vector<16xf32>
        %mul3A_1261 = arith.constant 64 : i32
        %mul3A_1262 = arith.muli %scan3A_437, %mul3A_1261 : i32
        %add3A_1263 = arith.constant 1 : i32
        %add3A_1264 = arith.addi %add3A_1263, %mul3A_1262 : i32
        %add3A_1265 = arith.constant 47 : i32
        %add3A_1266 = arith.addi %add3A_1264, %add3A_1265 : i32
        %sub3A_1267 = arith.constant 15 : i32
        %sub3A_1268 = arith.subi %select_n3A_461, %sub3A_1267 : i32
        %get3A_1269 = arith.index_cast %add3A_1266 : i32 to index
        %get3A_1270 = arith.index_cast %sub3A_1268 : i32 to index
        %get3A_1271 = tpu.vector_load %arg6[%get3A_1269, %get3A_1270] {strides = array<i32>} : memref<514x128xf32, #tpu.memory_space<vmem>>, vector<1x16xf32>,
        %get3A_1272 = vector.shape_cast %get3A_1271 : vector<1x16xf32> to vector<16xf32>
        %eq3A_1273 = arith.constant 15 : i32
        %eq3A_1274 = vector.broadcast %eq3A_1273 : i32 to vector<16xi32>
        %eq3A_1275 = arith.cmpi eq, %iota3A, %eq3A_1274 : vector<16xi32>
        %add3A_1276 = arith.addf %select_n3A_1260, %get3A_1272 : vector<16xf32>
        %select_n3A_1277 = arith.select %eq3A_1275, %add3A_1276, %select_n3A_1260 : vector<16xi1>, vector<16xf32>
        %mul3A_1278 = arith.constant 64 : i32
        %mul3A_1279 = arith.muli %scan3A_437, %mul3A_1278 : i32
        %add3A_1280 = arith.constant 1 : i32
        %add3A_1281 = arith.addi %add3A_1280, %mul3A_1279 : i32
        %add3A_1282 = arith.constant 48 : i32
        %add3A_1283 = arith.addi %add3A_1281, %add3A_1282 : i32
        %sub3A_1284 = arith.constant 0 : i32
        %sub3A_1285 = arith.subi %select_n3A_461, %sub3A_1284 : i32
        %get3A_1286 = arith.index_cast %add3A_1283 : i32 to index
        %get3A_1287 = arith.index_cast %sub3A_1285 : i32 to index
        %get3A_1288 = tpu.vector_load %arg6[%get3A_1286, %get3A_1287] {strides = array<i32>} : memref<514x128xf32, #tpu.memory_space<vmem>>, vector<1x16xf32>,
        %get3A_1289 = vector.shape_cast %get3A_1288 : vector<1x16xf32> to vector<16xf32>
        %eq3A_1290 = arith.constant 0 : i32
        %eq3A_1291 = vector.broadcast %eq3A_1290 : i32 to vector<16xi32>
        %eq3A_1292 = arith.cmpi eq, %iota3A, %eq3A_1291 : vector<16xi32>
        %add3A_1293 = arith.addf %scan3A_441, %get3A_1289 : vector<16xf32>
        %select_n3A_1294 = arith.select %eq3A_1292, %add3A_1293, %scan3A_441 : vector<16xi1>, vector<16xf32>
        %mul3A_1295 = arith.constant 64 : i32
        %mul3A_1296 = arith.muli %scan3A_437, %mul3A_1295 : i32
        %add3A_1297 = arith.constant 1 : i32
        %add3A_1298 = arith.addi %add3A_1297, %mul3A_1296 : i32
        %add3A_1299 = arith.constant 49 : i32
        %add3A_1300 = arith.addi %add3A_1298, %add3A_1299 : i32
        %sub3A_1301 = arith.constant 1 : i32
        %sub3A_1302 = arith.subi %select_n3A_461, %sub3A_1301 : i32
        %get3A_1303 = arith.index_cast %add3A_1300 : i32 to index
        %get3A_1304 = arith.index_cast %sub3A_1302 : i32 to index
        %get3A_1305 = tpu.vector_load %arg6[%get3A_1303, %get3A_1304] {strides = array<i32>} : memref<514x128xf32, #tpu.memory_space<vmem>>, vector<1x16xf32>,
        %get3A_1306 = vector.shape_cast %get3A_1305 : vector<1x16xf32> to vector<16xf32>
        %eq3A_1307 = arith.constant 1 : i32
        %eq3A_1308 = vector.broadcast %eq3A_1307 : i32 to vector<16xi32>
        %eq3A_1309 = arith.cmpi eq, %iota3A, %eq3A_1308 : vector<16xi32>
        %add3A_1310 = arith.addf %select_n3A_1294, %get3A_1306 : vector<16xf32>
        %select_n3A_1311 = arith.select %eq3A_1309, %add3A_1310, %select_n3A_1294 : vector<16xi1>, vector<16xf32>
        %mul3A_1312 = arith.constant 64 : i32
        %mul3A_1313 = arith.muli %scan3A_437, %mul3A_1312 : i32
        %add3A_1314 = arith.constant 1 : i32
        %add3A_1315 = arith.addi %add3A_1314, %mul3A_1313 : i32
        %add3A_1316 = arith.constant 50 : i32
        %add3A_1317 = arith.addi %add3A_1315, %add3A_1316 : i32
        %sub3A_1318 = arith.constant 2 : i32
        %sub3A_1319 = arith.subi %select_n3A_461, %sub3A_1318 : i32
        %get3A_1320 = arith.index_cast %add3A_1317 : i32 to index
        %get3A_1321 = arith.index_cast %sub3A_1319 : i32 to index
        %get3A_1322 = tpu.vector_load %arg6[%get3A_1320, %get3A_1321] {strides = array<i32>} : memref<514x128xf32, #tpu.memory_space<vmem>>, vector<1x16xf32>,
        %get3A_1323 = vector.shape_cast %get3A_1322 : vector<1x16xf32> to vector<16xf32>
        %eq3A_1324 = arith.constant 2 : i32
        %eq3A_1325 = vector.broadcast %eq3A_1324 : i32 to vector<16xi32>
        %eq3A_1326 = arith.cmpi eq, %iota3A, %eq3A_1325 : vector<16xi32>
        %add3A_1327 = arith.addf %select_n3A_1311, %get3A_1323 : vector<16xf32>
        %select_n3A_1328 = arith.select %eq3A_1326, %add3A_1327, %select_n3A_1311 : vector<16xi1>, vector<16xf32>
        %mul3A_1329 = arith.constant 64 : i32
        %mul3A_1330 = arith.muli %scan3A_437, %mul3A_1329 : i32
        %add3A_1331 = arith.constant 1 : i32
        %add3A_1332 = arith.addi %add3A_1331, %mul3A_1330 : i32
        %add3A_1333 = arith.constant 51 : i32
        %add3A_1334 = arith.addi %add3A_1332, %add3A_1333 : i32
        %sub3A_1335 = arith.constant 3 : i32
        %sub3A_1336 = arith.subi %select_n3A_461, %sub3A_1335 : i32
        %get3A_1337 = arith.index_cast %add3A_1334 : i32 to index
        %get3A_1338 = arith.index_cast %sub3A_1336 : i32 to index
        %get3A_1339 = tpu.vector_load %arg6[%get3A_1337, %get3A_1338] {strides = array<i32>} : memref<514x128xf32, #tpu.memory_space<vmem>>, vector<1x16xf32>,
        %get3A_1340 = vector.shape_cast %get3A_1339 : vector<1x16xf32> to vector<16xf32>
        %eq3A_1341 = arith.constant 3 : i32
        %eq3A_1342 = vector.broadcast %eq3A_1341 : i32 to vector<16xi32>
        %eq3A_1343 = arith.cmpi eq, %iota3A, %eq3A_1342 : vector<16xi32>
        %add3A_1344 = arith.addf %select_n3A_1328, %get3A_1340 : vector<16xf32>
        %select_n3A_1345 = arith.select %eq3A_1343, %add3A_1344, %select_n3A_1328 : vector<16xi1>, vector<16xf32>
        %mul3A_1346 = arith.constant 64 : i32
        %mul3A_1347 = arith.muli %scan3A_437, %mul3A_1346 : i32
        %add3A_1348 = arith.constant 1 : i32
        %add3A_1349 = arith.addi %add3A_1348, %mul3A_1347 : i32
        %add3A_1350 = arith.constant 52 : i32
        %add3A_1351 = arith.addi %add3A_1349, %add3A_1350 : i32
        %sub3A_1352 = arith.constant 4 : i32
        %sub3A_1353 = arith.subi %select_n3A_461, %sub3A_1352 : i32
        %get3A_1354 = arith.index_cast %add3A_1351 : i32 to index
        %get3A_1355 = arith.index_cast %sub3A_1353 : i32 to index
        %get3A_1356 = tpu.vector_load %arg6[%get3A_1354, %get3A_1355] {strides = array<i32>} : memref<514x128xf32, #tpu.memory_space<vmem>>, vector<1x16xf32>,
        %get3A_1357 = vector.shape_cast %get3A_1356 : vector<1x16xf32> to vector<16xf32>
        %eq3A_1358 = arith.constant 4 : i32
        %eq3A_1359 = vector.broadcast %eq3A_1358 : i32 to vector<16xi32>
        %eq3A_1360 = arith.cmpi eq, %iota3A, %eq3A_1359 : vector<16xi32>
        %add3A_1361 = arith.addf %select_n3A_1345, %get3A_1357 : vector<16xf32>
        %select_n3A_1362 = arith.select %eq3A_1360, %add3A_1361, %select_n3A_1345 : vector<16xi1>, vector<16xf32>
        %mul3A_1363 = arith.constant 64 : i32
        %mul3A_1364 = arith.muli %scan3A_437, %mul3A_1363 : i32
        %add3A_1365 = arith.constant 1 : i32
        %add3A_1366 = arith.addi %add3A_1365, %mul3A_1364 : i32
        %add3A_1367 = arith.constant 53 : i32
        %add3A_1368 = arith.addi %add3A_1366, %add3A_1367 : i32
        %sub3A_1369 = arith.constant 5 : i32
        %sub3A_1370 = arith.subi %select_n3A_461, %sub3A_1369 : i32
        %get3A_1371 = arith.index_cast %add3A_1368 : i32 to index
        %get3A_1372 = arith.index_cast %sub3A_1370 : i32 to index
        %get3A_1373 = tpu.vector_load %arg6[%get3A_1371, %get3A_1372] {strides = array<i32>} : memref<514x128xf32, #tpu.memory_space<vmem>>, vector<1x16xf32>,
        %get3A_1374 = vector.shape_cast %get3A_1373 : vector<1x16xf32> to vector<16xf32>
        %eq3A_1375 = arith.constant 5 : i32
        %eq3A_1376 = vector.broadcast %eq3A_1375 : i32 to vector<16xi32>
        %eq3A_1377 = arith.cmpi eq, %iota3A, %eq3A_1376 : vector<16xi32>
        %add3A_1378 = arith.addf %select_n3A_1362, %get3A_1374 : vector<16xf32>
        %select_n3A_1379 = arith.select %eq3A_1377, %add3A_1378, %select_n3A_1362 : vector<16xi1>, vector<16xf32>
        %mul3A_1380 = arith.constant 64 : i32
        %mul3A_1381 = arith.muli %scan3A_437, %mul3A_1380 : i32
        %add3A_1382 = arith.constant 1 : i32
        %add3A_1383 = arith.addi %add3A_1382, %mul3A_1381 : i32
        %add3A_1384 = arith.constant 54 : i32
        %add3A_1385 = arith.addi %add3A_1383, %add3A_1384 : i32
        %sub3A_1386 = arith.constant 6 : i32
        %sub3A_1387 = arith.subi %select_n3A_461, %sub3A_1386 : i32
        %get3A_1388 = arith.index_cast %add3A_1385 : i32 to index
        %get3A_1389 = arith.index_cast %sub3A_1387 : i32 to index
        %get3A_1390 = tpu.vector_load %arg6[%get3A_1388, %get3A_1389] {strides = array<i32>} : memref<514x128xf32, #tpu.memory_space<vmem>>, vector<1x16xf32>,
        %get3A_1391 = vector.shape_cast %get3A_1390 : vector<1x16xf32> to vector<16xf32>
        %eq3A_1392 = arith.constant 6 : i32
        %eq3A_1393 = vector.broadcast %eq3A_1392 : i32 to vector<16xi32>
        %eq3A_1394 = arith.cmpi eq, %iota3A, %eq3A_1393 : vector<16xi32>
        %add3A_1395 = arith.addf %select_n3A_1379, %get3A_1391 : vector<16xf32>
        %select_n3A_1396 = arith.select %eq3A_1394, %add3A_1395, %select_n3A_1379 : vector<16xi1>, vector<16xf32>
        %mul3A_1397 = arith.constant 64 : i32
        %mul3A_1398 = arith.muli %scan3A_437, %mul3A_1397 : i32
        %add3A_1399 = arith.constant 1 : i32
        %add3A_1400 = arith.addi %add3A_1399, %mul3A_1398 : i32
        %add3A_1401 = arith.constant 55 : i32
        %add3A_1402 = arith.addi %add3A_1400, %add3A_1401 : i32
        %sub3A_1403 = arith.constant 7 : i32
        %sub3A_1404 = arith.subi %select_n3A_461, %sub3A_1403 : i32
        %get3A_1405 = arith.index_cast %add3A_1402 : i32 to index
        %get3A_1406 = arith.index_cast %sub3A_1404 : i32 to index
        %get3A_1407 = tpu.vector_load %arg6[%get3A_1405, %get3A_1406] {strides = array<i32>} : memref<514x128xf32, #tpu.memory_space<vmem>>, vector<1x16xf32>,
        %get3A_1408 = vector.shape_cast %get3A_1407 : vector<1x16xf32> to vector<16xf32>
        %eq3A_1409 = arith.constant 7 : i32
        %eq3A_1410 = vector.broadcast %eq3A_1409 : i32 to vector<16xi32>
        %eq3A_1411 = arith.cmpi eq, %iota3A, %eq3A_1410 : vector<16xi32>
        %add3A_1412 = arith.addf %select_n3A_1396, %get3A_1408 : vector<16xf32>
        %select_n3A_1413 = arith.select %eq3A_1411, %add3A_1412, %select_n3A_1396 : vector<16xi1>, vector<16xf32>
        %mul3A_1414 = arith.constant 64 : i32
        %mul3A_1415 = arith.muli %scan3A_437, %mul3A_1414 : i32
        %add3A_1416 = arith.constant 1 : i32
        %add3A_1417 = arith.addi %add3A_1416, %mul3A_1415 : i32
        %add3A_1418 = arith.constant 56 : i32
        %add3A_1419 = arith.addi %add3A_1417, %add3A_1418 : i32
        %sub3A_1420 = arith.constant 8 : i32
        %sub3A_1421 = arith.subi %select_n3A_461, %sub3A_1420 : i32
        %get3A_1422 = arith.index_cast %add3A_1419 : i32 to index
        %get3A_1423 = arith.index_cast %sub3A_1421 : i32 to index
        %get3A_1424 = tpu.vector_load %arg6[%get3A_1422, %get3A_1423] {strides = array<i32>} : memref<514x128xf32, #tpu.memory_space<vmem>>, vector<1x16xf32>,
        %get3A_1425 = vector.shape_cast %get3A_1424 : vector<1x16xf32> to vector<16xf32>
        %eq3A_1426 = arith.constant 8 : i32
        %eq3A_1427 = vector.broadcast %eq3A_1426 : i32 to vector<16xi32>
        %eq3A_1428 = arith.cmpi eq, %iota3A, %eq3A_1427 : vector<16xi32>
        %add3A_1429 = arith.addf %select_n3A_1413, %get3A_1425 : vector<16xf32>
        %select_n3A_1430 = arith.select %eq3A_1428, %add3A_1429, %select_n3A_1413 : vector<16xi1>, vector<16xf32>
        %mul3A_1431 = arith.constant 64 : i32
        %mul3A_1432 = arith.muli %scan3A_437, %mul3A_1431 : i32
        %add3A_1433 = arith.constant 1 : i32
        %add3A_1434 = arith.addi %add3A_1433, %mul3A_1432 : i32
        %add3A_1435 = arith.constant 57 : i32
        %add3A_1436 = arith.addi %add3A_1434, %add3A_1435 : i32
        %sub3A_1437 = arith.constant 9 : i32
        %sub3A_1438 = arith.subi %select_n3A_461, %sub3A_1437 : i32
        %get3A_1439 = arith.index_cast %add3A_1436 : i32 to index
        %get3A_1440 = arith.index_cast %sub3A_1438 : i32 to index
        %get3A_1441 = tpu.vector_load %arg6[%get3A_1439, %get3A_1440] {strides = array<i32>} : memref<514x128xf32, #tpu.memory_space<vmem>>, vector<1x16xf32>,
        %get3A_1442 = vector.shape_cast %get3A_1441 : vector<1x16xf32> to vector<16xf32>
        %eq3A_1443 = arith.constant 9 : i32
        %eq3A_1444 = vector.broadcast %eq3A_1443 : i32 to vector<16xi32>
        %eq3A_1445 = arith.cmpi eq, %iota3A, %eq3A_1444 : vector<16xi32>
        %add3A_1446 = arith.addf %select_n3A_1430, %get3A_1442 : vector<16xf32>
        %select_n3A_1447 = arith.select %eq3A_1445, %add3A_1446, %select_n3A_1430 : vector<16xi1>, vector<16xf32>
        %mul3A_1448 = arith.constant 64 : i32
        %mul3A_1449 = arith.muli %scan3A_437, %mul3A_1448 : i32
        %add3A_1450 = arith.constant 1 : i32
        %add3A_1451 = arith.addi %add3A_1450, %mul3A_1449 : i32
        %add3A_1452 = arith.constant 58 : i32
        %add3A_1453 = arith.addi %add3A_1451, %add3A_1452 : i32
        %sub3A_1454 = arith.constant 10 : i32
        %sub3A_1455 = arith.subi %select_n3A_461, %sub3A_1454 : i32
        %get3A_1456 = arith.index_cast %add3A_1453 : i32 to index
        %get3A_1457 = arith.index_cast %sub3A_1455 : i32 to index
        %get3A_1458 = tpu.vector_load %arg6[%get3A_1456, %get3A_1457] {strides = array<i32>} : memref<514x128xf32, #tpu.memory_space<vmem>>, vector<1x16xf32>,
        %get3A_1459 = vector.shape_cast %get3A_1458 : vector<1x16xf32> to vector<16xf32>
        %eq3A_1460 = arith.constant 10 : i32
        %eq3A_1461 = vector.broadcast %eq3A_1460 : i32 to vector<16xi32>
        %eq3A_1462 = arith.cmpi eq, %iota3A, %eq3A_1461 : vector<16xi32>
        %add3A_1463 = arith.addf %select_n3A_1447, %get3A_1459 : vector<16xf32>
        %select_n3A_1464 = arith.select %eq3A_1462, %add3A_1463, %select_n3A_1447 : vector<16xi1>, vector<16xf32>
        %mul3A_1465 = arith.constant 64 : i32
        %mul3A_1466 = arith.muli %scan3A_437, %mul3A_1465 : i32
        %add3A_1467 = arith.constant 1 : i32
        %add3A_1468 = arith.addi %add3A_1467, %mul3A_1466 : i32
        %add3A_1469 = arith.constant 59 : i32
        %add3A_1470 = arith.addi %add3A_1468, %add3A_1469 : i32
        %sub3A_1471 = arith.constant 11 : i32
        %sub3A_1472 = arith.subi %select_n3A_461, %sub3A_1471 : i32
        %get3A_1473 = arith.index_cast %add3A_1470 : i32 to index
        %get3A_1474 = arith.index_cast %sub3A_1472 : i32 to index
        %get3A_1475 = tpu.vector_load %arg6[%get3A_1473, %get3A_1474] {strides = array<i32>} : memref<514x128xf32, #tpu.memory_space<vmem>>, vector<1x16xf32>,
        %get3A_1476 = vector.shape_cast %get3A_1475 : vector<1x16xf32> to vector<16xf32>
        %eq3A_1477 = arith.constant 11 : i32
        %eq3A_1478 = vector.broadcast %eq3A_1477 : i32 to vector<16xi32>
        %eq3A_1479 = arith.cmpi eq, %iota3A, %eq3A_1478 : vector<16xi32>
        %add3A_1480 = arith.addf %select_n3A_1464, %get3A_1476 : vector<16xf32>
        %select_n3A_1481 = arith.select %eq3A_1479, %add3A_1480, %select_n3A_1464 : vector<16xi1>, vector<16xf32>
        %mul3A_1482 = arith.constant 64 : i32
        %mul3A_1483 = arith.muli %scan3A_437, %mul3A_1482 : i32
        %add3A_1484 = arith.constant 1 : i32
        %add3A_1485 = arith.addi %add3A_1484, %mul3A_1483 : i32
        %add3A_1486 = arith.constant 60 : i32
        %add3A_1487 = arith.addi %add3A_1485, %add3A_1486 : i32
        %sub3A_1488 = arith.constant 12 : i32
        %sub3A_1489 = arith.subi %select_n3A_461, %sub3A_1488 : i32
        %get3A_1490 = arith.index_cast %add3A_1487 : i32 to index
        %get3A_1491 = arith.index_cast %sub3A_1489 : i32 to index
        %get3A_1492 = tpu.vector_load %arg6[%get3A_1490, %get3A_1491] {strides = array<i32>} : memref<514x128xf32, #tpu.memory_space<vmem>>, vector<1x16xf32>,
        %get3A_1493 = vector.shape_cast %get3A_1492 : vector<1x16xf32> to vector<16xf32>
        %eq3A_1494 = arith.constant 12 : i32
        %eq3A_1495 = vector.broadcast %eq3A_1494 : i32 to vector<16xi32>
        %eq3A_1496 = arith.cmpi eq, %iota3A, %eq3A_1495 : vector<16xi32>
        %add3A_1497 = arith.addf %select_n3A_1481, %get3A_1493 : vector<16xf32>
        %select_n3A_1498 = arith.select %eq3A_1496, %add3A_1497, %select_n3A_1481 : vector<16xi1>, vector<16xf32>
        %mul3A_1499 = arith.constant 64 : i32
        %mul3A_1500 = arith.muli %scan3A_437, %mul3A_1499 : i32
        %add3A_1501 = arith.constant 1 : i32
        %add3A_1502 = arith.addi %add3A_1501, %mul3A_1500 : i32
        %add3A_1503 = arith.constant 61 : i32
        %add3A_1504 = arith.addi %add3A_1502, %add3A_1503 : i32
        %sub3A_1505 = arith.constant 13 : i32
        %sub3A_1506 = arith.subi %select_n3A_461, %sub3A_1505 : i32
        %get3A_1507 = arith.index_cast %add3A_1504 : i32 to index
        %get3A_1508 = arith.index_cast %sub3A_1506 : i32 to index
        %get3A_1509 = tpu.vector_load %arg6[%get3A_1507, %get3A_1508] {strides = array<i32>} : memref<514x128xf32, #tpu.memory_space<vmem>>, vector<1x16xf32>,
        %get3A_1510 = vector.shape_cast %get3A_1509 : vector<1x16xf32> to vector<16xf32>
        %eq3A_1511 = arith.constant 13 : i32
        %eq3A_1512 = vector.broadcast %eq3A_1511 : i32 to vector<16xi32>
        %eq3A_1513 = arith.cmpi eq, %iota3A, %eq3A_1512 : vector<16xi32>
        %add3A_1514 = arith.addf %select_n3A_1498, %get3A_1510 : vector<16xf32>
        %select_n3A_1515 = arith.select %eq3A_1513, %add3A_1514, %select_n3A_1498 : vector<16xi1>, vector<16xf32>
        %mul3A_1516 = arith.constant 64 : i32
        %mul3A_1517 = arith.muli %scan3A_437, %mul3A_1516 : i32
        %add3A_1518 = arith.constant 1 : i32
        %add3A_1519 = arith.addi %add3A_1518, %mul3A_1517 : i32
        %add3A_1520 = arith.constant 62 : i32
        %add3A_1521 = arith.addi %add3A_1519, %add3A_1520 : i32
        %sub3A_1522 = arith.constant 14 : i32
        %sub3A_1523 = arith.subi %select_n3A_461, %sub3A_1522 : i32
        %get3A_1524 = arith.index_cast %add3A_1521 : i32 to index
        %get3A_1525 = arith.index_cast %sub3A_1523 : i32 to index
        %get3A_1526 = tpu.vector_load %arg6[%get3A_1524, %get3A_1525] {strides = array<i32>} : memref<514x128xf32, #tpu.memory_space<vmem>>, vector<1x16xf32>,
        %get3A_1527 = vector.shape_cast %get3A_1526 : vector<1x16xf32> to vector<16xf32>
        %eq3A_1528 = arith.constant 14 : i32
        %eq3A_1529 = vector.broadcast %eq3A_1528 : i32 to vector<16xi32>
        %eq3A_1530 = arith.cmpi eq, %iota3A, %eq3A_1529 : vector<16xi32>
        %add3A_1531 = arith.addf %select_n3A_1515, %get3A_1527 : vector<16xf32>
        %select_n3A_1532 = arith.select %eq3A_1530, %add3A_1531, %select_n3A_1515 : vector<16xi1>, vector<16xf32>
        %mul3A_1533 = arith.constant 64 : i32
        %mul3A_1534 = arith.muli %scan3A_437, %mul3A_1533 : i32
        %add3A_1535 = arith.constant 1 : i32
        %add3A_1536 = arith.addi %add3A_1535, %mul3A_1534 : i32
        %add3A_1537 = arith.constant 63 : i32
        %add3A_1538 = arith.addi %add3A_1536, %add3A_1537 : i32
        %sub3A_1539 = arith.constant 15 : i32
        %sub3A_1540 = arith.subi %select_n3A_461, %sub3A_1539 : i32
        %get3A_1541 = arith.index_cast %add3A_1538 : i32 to index
        %get3A_1542 = arith.index_cast %sub3A_1540 : i32 to index
        %get3A_1543 = tpu.vector_load %arg6[%get3A_1541, %get3A_1542] {strides = array<i32>} : memref<514x128xf32, #tpu.memory_space<vmem>>, vector<1x16xf32>,
        %get3A_1544 = vector.shape_cast %get3A_1543 : vector<1x16xf32> to vector<16xf32>
        %eq3A_1545 = arith.constant 15 : i32
        %eq3A_1546 = vector.broadcast %eq3A_1545 : i32 to vector<16xi32>
        %eq3A_1547 = arith.cmpi eq, %iota3A, %eq3A_1546 : vector<16xi32>
        %add3A_1548 = arith.addf %select_n3A_1532, %get3A_1544 : vector<16xf32>
        %select_n3A_1549 = arith.select %eq3A_1547, %add3A_1548, %select_n3A_1532 : vector<16xi1>, vector<16xf32>
        scf.yield %select_n3A_733, %select_n3A_1005, %select_n3A_1277, %select_n3A_1549 : vector<16xf32>, vector<16xf32>, vector<16xf32>, vector<16xf32>
      }
      %scan3A_413 = arith.constant 8 : i32
      %swap3A = arith.constant 0 : i32
      %swap3A_414 = arith.index_cast %swap3A : i32 to index
      %swap3A_415 = arith.constant 0 : index
      %swap3A_416 = tpu.vector_load %arg7[%swap3A_414, %swap3A_415] {strides = array<i32>} : memref<1x64xf32, #tpu.memory_space<vmem>>, vector<1x16xf32>,
      %swap3A_417 = vector.shape_cast %swap3A_416 : vector<1x16xf32> to vector<16xf32>
      %swap3A_418 = vector.shape_cast %scan3A_412#0 : vector<16xf32> to vector<1x16xf32>
      tpu.vector_store %arg7[%swap3A_414, %swap3A_415], %swap3A_418 {strides = array<i32>} : memref<1x64xf32, #tpu.memory_space<vmem>>, vector<1x16xf32>,
      %swap3A_419 = arith.constant 0 : i32
      %swap3A_420 = arith.index_cast %swap3A_419 : i32 to index
      %swap3A_421 = arith.constant 16 : index
      %swap3A_422 = tpu.vector_load %arg7[%swap3A_420, %swap3A_421] {strides = array<i32>} : memref<1x64xf32, #tpu.memory_space<vmem>>, vector<1x16xf32>,
      %swap3A_423 = vector.shape_cast %swap3A_422 : vector<1x16xf32> to vector<16xf32>
      %swap3A_424 = vector.shape_cast %scan3A_412#1 : vector<16xf32> to vector<1x16xf32>
      tpu.vector_store %arg7[%swap3A_420, %swap3A_421], %swap3A_424 {strides = array<i32>} : memref<1x64xf32, #tpu.memory_space<vmem>>, vector<1x16xf32>,
      %swap3A_425 = arith.constant 0 : i32
      %swap3A_426 = arith.index_cast %swap3A_425 : i32 to index
      %swap3A_427 = arith.constant 32 : index
      %swap3A_428 = tpu.vector_load %arg7[%swap3A_426, %swap3A_427] {strides = array<i32>} : memref<1x64xf32, #tpu.memory_space<vmem>>, vector<1x16xf32>,
      %swap3A_429 = vector.shape_cast %swap3A_428 : vector<1x16xf32> to vector<16xf32>
      %swap3A_430 = vector.shape_cast %scan3A_412#2 : vector<16xf32> to vector<1x16xf32>
      tpu.vector_store %arg7[%swap3A_426, %swap3A_427], %swap3A_430 {strides = array<i32>} : memref<1x64xf32, #tpu.memory_space<vmem>>, vector<1x16xf32>,
      %swap3A_431 = arith.constant 0 : i32
      %swap3A_432 = arith.index_cast %swap3A_431 : i32 to index
      %swap3A_433 = arith.constant 48 : index
      %swap3A_434 = tpu.vector_load %arg7[%swap3A_432, %swap3A_433] {strides = array<i32>} : memref<1x64xf32, #tpu.memory_space<vmem>>, vector<1x16xf32>,
      %swap3A_435 = vector.shape_cast %swap3A_434 : vector<1x16xf32> to vector<16xf32>
      %swap3A_436 = vector.shape_cast %scan3A_412#3 : vector<16xf32> to vector<1x16xf32>
      tpu.vector_store %arg7[%swap3A_432, %swap3A_433], %swap3A_436 {strides = array<i32>} : memref<1x64xf32, #tpu.memory_space<vmem>>, vector<1x16xf32>,
      "tpu.region"() ({
        %run_scoped3A = tpu.sem_alloc : memref<!tpu.dma_semaphore, #tpu.memory_space<semaphore_mem>>
        %dma_start3A_437 = arith.constant 0 : i32
        %dma_start3A_438 = tpu.memref_slice %arg4[%add3A, %dma_start3A_437] : memref<25x64xf32, #tpu.memory_space<hbm>> -> memref<1x64xf32, #tpu.memory_space<hbm>>
        %dma_start3A_439 = arith.constant 0 : i32
        %dma_start3A_440 = tpu.memref_slice %arg4[%add3A, %dma_start3A_439] : memref<25x64xf32, #tpu.memory_space<hbm>> -> memref<1x64xf32, #tpu.memory_space<hbm>>
        tpu.enqueue_dma source(%arg7 : memref<1x64xf32, #tpu.memory_space<vmem>>) target(%dma_start3A_440 : memref<1x64xf32, #tpu.memory_space<hbm>>) target_semaphore(%run_scoped3A : memref<!tpu.dma_semaphore, #tpu.memory_space<semaphore_mem>>)
        %dma_wait3A_441 = arith.constant 0 : i32
        %dma_wait3A_442 = tpu.memref_slice %arg4[%add3A, %dma_wait3A_441] : memref<25x64xf32, #tpu.memory_space<hbm>> -> memref<1x64xf32, #tpu.memory_space<hbm>>
        %dma_wait3A_443 = arith.constant 0 : i32
        %dma_wait3A_444 = tpu.memref_slice %arg4[%add3A, %dma_wait3A_443] : memref<25x64xf32, #tpu.memory_space<hbm>> -> memref<1x64xf32, #tpu.memory_space<hbm>>
        tpu.wait_dma2 semaphore(%run_scoped3A : memref<!tpu.dma_semaphore, #tpu.memory_space<semaphore_mem>>) src(%arg7 : memref<1x64xf32, #tpu.memory_space<vmem>>) dst(%dma_wait3A_444 : memref<1x64xf32, #tpu.memory_space<hbm>>)
        tpu.yield
      }) : () -> ()
    } else {
    }
    return
  }
}

module attributes {stable_mosaic.version = 14 : i64} {
  func.func @body(%arg0: memref<25x64xf32, #tpu.memory_space<vmem>>, %arg1: memref<64x128xf32, #tpu.memory_space<vmem>>, %arg2: memref<1x128xf32, #tpu.memory_space<vmem>>, %arg3: memref<128x128xf32, #tpu.memory_space<vmem>>, %arg4: memref<1x128xf32, #tpu.memory_space<vmem>>, %arg5: memref<1000x128xf32, #tpu.memory_space<vmem>>, %arg6: memref<1x1000xf32, #tpu.memory_space<vmem>>, %arg7: memref<1x1000xf32, #tpu.memory_space<vmem>>) attributes {dimension_semantics = [], scalar_prefetch = 0 : i64, scratch_operands = 0 : i64, tpu.core_type = #tpu.core_type<tc>} {
    %get3A = arith.constant 0 : index
    %get3A_0 = arith.constant 0 : index
    %get3A_1 = vector.load %arg0[%get3A, %get3A_0] : memref<25x64xf32, #tpu.memory_space<vmem>>, vector<25x64xf32>
    %reduce_sum3A = arith.constant dense<0.000000e+00> : vector<64xf32>
    %reduce_sum3A_2 = vector.multi_reduction <add>, %get3A_1, %reduce_sum3A [0] : vector<25x64xf32> to vector<64xf32>
    %broadcast_in_dim3A = vector.shape_cast %reduce_sum3A_2 : vector<64xf32> to vector<1x64xf32>
    %get3A_3 = arith.constant 0 : index
    %get3A_4 = arith.constant 0 : index
    %get3A_5 = vector.load %arg1[%get3A_3, %get3A_4] : memref<64x128xf32, #tpu.memory_space<vmem>>, vector<64x128xf32>
    %dot_general3A = arith.constant dense<0.000000e+00> : vector<1x128xf32>
    %dot_general3A_6 = tpu.matmul %broadcast_in_dim3A, %get3A_5, %dot_general3A {dimension_numbers = #tpu.dot_dimension_numbers<[1], [0], [0], [1], [0, 0, 1, 1], [], []>, transpose_lhs_hint = false} : vector<1x64xf32>, vector<64x128xf32>, vector<1x128xf32> -> vector<1x128xf32>
    %get3A_7 = arith.constant 0 : index
    %get3A_8 = arith.constant 0 : index
    %get3A_9 = vector.load %arg2[%get3A_7, %get3A_8] : memref<1x128xf32, #tpu.memory_space<vmem>>, vector<1x128xf32>
    %add3A = arith.addf %dot_general3A_6, %get3A_9 : vector<1x128xf32>
    %tanh3A = math.tanh %add3A : vector<1x128xf32>
    %get3A_10 = arith.constant 0 : index
    %get3A_11 = arith.constant 0 : index
    %get3A_12 = vector.load %arg3[%get3A_10, %get3A_11] : memref<128x128xf32, #tpu.memory_space<vmem>>, vector<128x128xf32>
    %dot_general3A_13 = arith.constant dense<0.000000e+00> : vector<1x128xf32>
    %dot_general3A_14 = tpu.matmul %tanh3A, %get3A_12, %dot_general3A_13 {dimension_numbers = #tpu.dot_dimension_numbers<[1], [1], [0], [0], [0, 0, 1, 0], [], []>, transpose_lhs_hint = false} : vector<1x128xf32>, vector<128x128xf32>, vector<1x128xf32> -> vector<1x128xf32>
    %get3A_15 = arith.constant 0 : index
    %get3A_16 = arith.constant 0 : index
    %get3A_17 = vector.load %arg4[%get3A_15, %get3A_16] : memref<1x128xf32, #tpu.memory_space<vmem>>, vector<1x128xf32>
    %add3A_18 = arith.addf %dot_general3A_14, %get3A_17 : vector<1x128xf32>
    %tanh3A_19 = math.tanh %add3A_18 : vector<1x128xf32>
    %get3A_20 = arith.constant 0 : index
    %get3A_21 = arith.constant 0 : index
    %get3A_22 = vector.load %arg5[%get3A_20, %get3A_21] : memref<1000x128xf32, #tpu.memory_space<vmem>>, vector<1000x128xf32>
    %dot_general3A_23 = arith.constant dense<0.000000e+00> : vector<1x1000xf32>
    %dot_general3A_24 = tpu.matmul %tanh3A_19, %get3A_22, %dot_general3A_23 {dimension_numbers = #tpu.dot_dimension_numbers<[1], [1], [0], [0], [0, 0, 1, 0], [], []>, transpose_lhs_hint = false} : vector<1x128xf32>, vector<1000x128xf32>, vector<1x1000xf32> -> vector<1x1000xf32>
    %get3A_25 = arith.constant 0 : index
    %get3A_26 = arith.constant 0 : index
    %get3A_27 = vector.load %arg6[%get3A_25, %get3A_26] : memref<1x1000xf32, #tpu.memory_space<vmem>>, vector<1x1000xf32>
    %add3A_28 = arith.addf %dot_general3A_24, %get3A_27 : vector<1x1000xf32>
    %swap3A = arith.constant 0 : index
    %swap3A_29 = arith.constant 0 : index
    %swap3A_30 = vector.load %arg7[%swap3A, %swap3A_29] : memref<1x1000xf32, #tpu.memory_space<vmem>>, vector<1x1000xf32>
    tpu.vector_store %arg7[%swap3A, %swap3A_29], %add3A_28 {strides = array<i32>} : memref<1x1000xf32, #tpu.memory_space<vmem>>, vector<1x1000xf32>,
    return
  }
}

</mosaic_0001>

<sc_bundles>
// kernel: kernel.4.cloned.1.call-start
scs
__scs_entry_jumppad:
0x0: {  	(pc) =	sbr.rel $0x88, $3  }
0x1: {  	(tag) =	ssettag $0x0;
	lr =	simm.s32 $0x1  }
0x2: {  	[smem:$0x3F99] =	sst lr;
	_ =	strace $0xD0000000  }
0x3: {  	_ = 	snop  }
0x4: {  	_ = 	snop  }
0x5: {  	_ = 	snop  }
0x6: {  	_ = 	snop  }
0x7: {  	_ = 	snop  }
__scs_overlays_trampoline_lowered:
0x8: {  	[smem:$0x3FA8] =	sst s0  }
0x9: {  	[smem:$0x3FA9] =	sst s1  }
0xa: {  	[smem:$0x3FAA] =	sst s2  }
0xb: {  	[smem:$0x3FAB] =	sst s3  }
0xc: {  	[smem:$0x3FAC] =	sst s4  }
0xd: {  	[smem:$0x3FAD] =	sst s5  }
0xe: {  	[smem:$0x3FAE] =	sst s6  }
0xf: {  	[smem:$0x3FAF] =	sst s7  }
0x10: {  	[smem:$0x3FB0] =	sst s8  }
0x11: {  	[smem:$0x3FB1] =	sst s9;
	s0 =	simm.s32 @!p0 $0x0  }
0x12: {  	s1 =	sld [smem:$0x3F97];
	s0 =	simm.s32 @p0 $0x1  }
0x13: {  	[smem:$0x3FB2] =	sst s0;
	s0 =	simm.s32 @!p1 $0x0  }
0x14: {  	s2 =	sld [smem:$0x3F96];
	s0 =	simm.s32 @p1 $0x1  }
0x15: {  	[smem:$0x3FB3] =	sst s0;
	s0 =	simm.s32 @!p2 $0x0  }
0x16: {  	s3 =	sld [smem:$0x3FDB];
	s0 =	simm.s32 @p2 $0x1  }
0x17: {  	s4 =	simm.s32 $0x1BF5;
	[smem:$0x3FB5] =	sst s0  }
0x18: {  	s0 =	sld [smem:$0x3F98];
	_ =	swait.ge [sflag:s4], $0x0  }
0x19: {  	s7 =	sld [smem:$0x3F99]  }
0x1a: {  	s8 =	sadd.s32 $0xFFFFE003, lr  }
0x1b: {  	s9 =	sadd.s32 $0xFFFFFEF7, lr;
	s5 =	simm.s32 $0xFFFFFFFF;
	p2 =	slt.u32 s8, $0xFFFFF086  }
0x1c: {  	p1 =	slt.u32 s9, $0xF7A;
	s5 =	simm.s32 @!p2 $0x0  }
0x1d: {  	s5 =	simm.s32 @p1 $0x1;
	p0 =	seq.s32 s7, s2  }
0x1e: {  	s7 =	smul.u32 @!p0 $0xF7A, s2;
	p2 =	seq.s32 @!p0 s5, $0x0  }
0x1f: {  	s9 =	smul.u32 $0xF7A, s1;
	s8 =	simm.s32 @!p0 $0x1BF5;
	p2 =	por !p2, p0  }
0x20: {  	[sflag:s8] =	ssyncset.s32 @!p0 $0xFFFFF086;
	s6 =	sadd.s32 @!p0 s3, s7;
	s7 =	simm.s32 @!p0 $0x108  }
0x21: {  	s3 =	sadd.s32 s3, s9;
	s6 =	sadd.s32 @!p0 $0x88, s6;
	s7 =	simm.s32 @p2 $0x1082  }
0x22: {  	[simem:s7], [sflag:s8] =	dma.local @!p0 [hbm:s6], $0xF7A  }
0x23: {  	s9 =	sor.u32 $0xD0000000, s2;
	s6 =	simm.s32 $0x108;
	_ =	swait.ge @!p0 [sflag:s8], $0x0  }
0x24: {  	s3 =	sadd.s32 $0x88, s3;
	s6 =	simm.s32 @!p1 $0x1082;
	[sflag:s4] =	ssyncset.s32 $0xFFFFF086  }
0x25: {  	[simem:s6], [sflag:s4] =	dma.local [hbm:s3], $0xF7A  }
0x26: {  	[smem:$0x3F99] =	sst s1;
	(tag) =	ssettag s2;
	_ =	strace s9  }
0x27: {  	s1 =	sld [smem:$0x3FA9]  }
0x28: {  	s2 =	sld [smem:$0x3FAA]  }
0x29: {  	s4 =	sld [smem:$0x3FAC]  }
0x2a: {  	p0 =	seq.s32 s5, $0x0;
	s5 =	sld [smem:$0x3FAD]  }
0x2b: {  	s6 =	sld [smem:$0x3FAE]  }
0x2c: {  	s7 =	sld [smem:$0x3FAF]  }
0x2d: {  	s3 =	simm.s32 $0x108;
	s8 =	sld [smem:$0x3FB0]  }
0x2e: {  	s3 =	simm.s32 @!p0 $0x1082;
	s9 =	sld [smem:$0x3FB1]  }
0x2f: {  	lr =	sadd.s32 s0, s3;
	s0 =	sld [smem:$0x3FA8]  }
0x30: {  	s3 =	sld [smem:$0x3FAB]  }
0x31: {  	[smem:$0x3FB4] =	sst s10  }
0x32: {  	s10 =	sld [smem:$0x3FB2];
	_ =	sdelay $0x3  }
0x33: {  	p0 =	seq.s32 s10, $0x1;
	s10 =	sld [smem:$0x3FB4];
	_ =	sdelay $0x3  }
0x34: {  	[smem:$0x3FB4] =	sst s10  }
0x35: {  	s10 =	sld [smem:$0x3FB3];
	_ =	sdelay $0x3  }
0x36: {  	p1 =	seq.s32 s10, $0x1;
	s10 =	sld [smem:$0x3FB4];
	_ =	sdelay $0x3  }
0x37: {  	[smem:$0x3FB4] =	sst s10  }
0x38: {  	s10 =	sld [smem:$0x3FB5]  }
0x39: {  	_ = 	snop;
	(pc) =	sbr.ind lr, $3  }
0x3a: {  	_ = 	snop  }
0x3b: {  	_ = 	snop  }
0x3c: {  	p2 =	seq.s32 s10, $0x1;
	s10 =	sld [smem:$0x3FB4]  }
0x3d: {  	_ =	shalt  }
0x3e: {  	_ =	shalt  }
0x3f: {  	_ =	shalt  }
0x40: {  	_ =	shalt  }
0x41: {  	_ =	shalt  }
0x42: {  	_ =	shalt  }
0x43: {  	_ =	shalt  }
0x44: {  	_ =	shalt  }
0x45: {  	_ =	shalt  }
0x46: {  	_ =	shalt  }
0x47: {  	_ =	shalt  }
0x48: {  	_ =	shalt  }
0x49: {  	_ =	shalt  }
0x4a: {  	_ =	shalt  }
0x4b: {  	_ =	shalt  }
0x4c: {  	_ =	shalt  }
0x4d: {  	_ =	shalt  }
0x4e: {  	_ =	shalt  }
0x4f: {  	_ =	shalt  }
0x50: {  	_ =	shalt  }
0x51: {  	_ =	shalt  }
0x52: {  	_ =	shalt  }
0x53: {  	_ =	shalt  }
0x54: {  	_ =	shalt  }
0x55: {  	_ =	shalt  }
0x56: {  	_ =	shalt  }
0x57: {  	_ =	shalt  }
0x58: {  	_ =	shalt  }
0x59: {  	_ =	shalt  }
0x5a: {  	_ =	shalt  }
0x5b: {  	_ =	shalt  }
0x5c: {  	_ =	shalt  }
0x5d: {  	_ =	shalt  }
0x5e: {  	_ =	shalt  }
0x5f: {  	_ =	shalt  }
0x60: {  	_ =	shalt  }
0x61: {  	_ =	shalt  }
0x62: {  	_ =	shalt  }
0x63: {  	_ =	shalt  }
0x64: {  	_ =	shalt  }
0x65: {  	_ =	shalt  }
0x66: {  	_ =	shalt  }
0x67: {  	_ =	shalt  }
0x68: {  	_ =	shalt  }
0x69: {  	_ =	shalt  }
0x6a: {  	_ =	shalt  }
0x6b: {  	_ =	shalt  }
0x6c: {  	_ =	shalt  }
0x6d: {  	_ =	shalt  }
0x6e: {  	_ =	shalt  }
0x6f: {  	_ =	shalt  }
0x70: {  	_ =	shalt  }
0x71: {  	_ =	shalt  }
0x72: {  	_ =	shalt  }
0x73: {  	_ =	shalt  }
0x74: {  	_ =	shalt  }
0x75: {  	_ =	shalt  }
0x76: {  	_ =	shalt  }
0x77: {  	_ =	shalt  }
0x78: {  	_ =	shalt  }
0x79: {  	_ =	shalt  }
0x7a: {  	_ =	shalt  }
0x7b: {  	_ =	shalt  }
0x7c: {  	_ =	shalt  }
0x7d: {  	_ =	shalt  }
0x7e: {  	_ =	shalt  }
0x7f: {  	_ =	shalt  }
0x80: {  	_ =	shalt  }
0x81: {  	_ =	shalt  }
0x82: {  	_ =	shalt  }
0x83: {  	_ =	shalt  }
0x84: {  	_ =	shalt  }
0x85: {  	_ =	shalt  }
0x86: {  	_ =	shalt  }
0x87: {  	_ =	shalt  }
.Lfunc_end0:
.L_simem_size_0:
called_computation_lowered:
.L_overlay_start_0:
0x88: {  	s2 =	sld [smem:$0x3FD9]  }
0x89: {  	s3 =	sld [smem:$0x3FFE];
	_ =	sdelay $0x1  }
0x8a: {  	s1 =	srdreg.scid  }
0x8b: {  	s0 =	sand.u32 $0x1, s1  }
0x8c: {  	s17 =	sshll.u32 s0, $0xA;
	s2 =	sadd.s32 s3, s2  }
0x8d: {  	s2 =	sadd.s32 s2, s17  }
0x8e: {  	[smem:$0x3FC0] =	sst s2  }
0x8f: {  	_ = 	snop  }
0x90: {  	s2 =	sld [smem:$0x3FC9]  }
0x91: {  	s18 =	sld [smem:$0x3FC8];
	(tm) =	ssettm $0x1  }
0x92: {  	s4 =	sld [smem:$0x3FFB];
	_ =	sdelay $0x3  }
0x93: {  	_ =	strace s4  }
0x94: {  	s4 =	sld [smem:$0x3FFC];
	_ =	sdelay $0x3  }
0x95: {  	_ =	strace s4  }
0x96: {  	s4 =	sld [smem:$0x3FFD];
	_ =	sdelay $0x3  }
0x97: {  	_ =	strace s4  }
0x98: {  	_ =	strace $0x8FFFFFFF  }
0x99: {  	s19 =	sld [smem:$0x3FDB];
	_ =	sdelay $0x1  }
0x9a: {  	s5 =	simm.s32 $_scs_section_size  }
0x9b: {  	s6 =	simm.s32 $_size__tile_overlayer_lowered;
	s7 =	simm.s32 $_tile_overlayer_lowered  }
0x9c: {  	s22 =	simm.s32 $0x1BFF;
	s21 =	sshll.u32 s7, $0x1;
	s4 =	sadd.s32 s5, s19  }
0x9d: {  	s8 =	simm.s32 $0x0;
	s20 =	sshll.u32 s6, $0x1;
	s6 =	sadd.s32 s21, s4  }
0x9e: {  	[timem:s8], [sflag:s22] =	dma.local [hbm:s6], s20  }
0x9f: {  	_ =	swait.ge [sflag:s22], s20  }
0xa0: {  	s5 =	ssub.s32 $0x0, s20;
	[sflag:s22] =	ssyncset.done $0x0  }
0xa1: {  	[sflag:s22] =	ssyncadd.s32 s5;
	_ =	sdelay $0x1  }
0xa2: {  	s23 =	simm.s32 $0x1B8B  }
0xa3: {  	_ =	swait.ge [sflag:s23], $0x1  }
0xa4: {  	[sflag:s23] =	ssyncset.done $0x0  }
0xa5: {  	s25 =	simm.s32 $0x1B8E;
	s24 =	sld [smem:$0x3FFE];
	[sflag:s23] =	ssyncadd.s32 $0xFFFFFFFF  }
0xa6: {  	s26 =	simm.s32 $execute0_lowered;
	[smem:$0x3FD2] =	sst s25  }
0xa7: {  	s6 =	sshll.u32 s26, $0x1;
	_ =	strace $0x80000046;
	[dreg:$0x1] =	wrdreg $0xFFFFFFFF  }
0xa8: {  	s28 =	simm.s32 $_size_execute0_lowered;
	s4 =	sadd.s32 s4, s6;
	[dreg:$0x0] =	wrdreg $0x0  }
0xa9: {  	s6 =	sshll.u32 s28, $0x1;
	[dreg:$0x2] =	wrdreg s4  }
0xaa: {  	[dreg:$0x3] =	wrdreg s6  }
0xab: {  	[dreg:$0x4] =	wrdreg $0xC0  }
0xac: {  	_ =	task [dreg:s8], $0x5FFFF  }
0xad: {  	[dreg:$0x1] =	wrdreg $0xFFFFFFFF  }
0xae: {  	[dreg:$0x0] =	wrdreg $0x60  }
0xaf: {  	[dreg:$0x2] =	wrdreg s2  }
0xb0: {  	[dreg:$0x3] =	wrdreg s18  }
0xb1: {  	[dreg:$0x4] =	wrdreg s24  }
0xb2: {  	[dreg:$0x5] =	wrdreg $0x9  }
0xb3: {  	_ =	task.clear_ibuf [dreg:s8], $0x6FFFF;
	_ =	strace $0x90000046  }
0xb4: {  	s29 =	simm.s32 $0x9;
	_ =	strace $0x80000048  }
0xb5: {  	_ =	swait.ge [sflag:s29], $0x1  }
0xb6: {  	[sflag:s29] =	ssyncadd.s32 $0xFFFFFFFF  }
0xb7: {  	_ =	strace $0x90000048  }
0xb8: {  	_ =	sfence  }
0xb9: {  	s30 =	sld [smem:$0x0];
	_ =	sdelay $0x2  }
0xba: {  	s31 =	sshll.u32 s1, $0xD;
	s1 =	sshrl.u32 s1, $0x2  }
0xbb: {  	s3 =	sand.u32 $0x4000, s31;
	s1 =	sadd.s32 s1, s30  }
0xbc: {  	s0 =	sor.u32 s3, s0;
	s1 =	sshll.u32 s1, $0x11  }
0xbd: {  	s0 =	sor.u32 s1, s0  }
0xbe: {  	s0 =	sadd.s32 $0x8F2B, s0  }
0xbf: {  	[sflag:s0] =	ssyncadd.remote.s32 $0x1  }
0xc0: {  	_ =	sfence.sel $0xFFFF  }
0xc1: {  	[dreg:$0x0] =	wrdreg $0xFFFFFFFF;
	(pc) =	sbr.abs _section_cstart, $3  }
0xc2: {  	[dreg:$0x1] =	wrdreg $0xFFFFFFFF  }
0xc3: {  	_ =	task.clear_ibuf [dreg:s8], $0x2FFFF;
	_ =	strace $0x9FFFFFFF  }
0xc4: {  	(tm) =	ssettm $0x7FFFFFFF  }
0xc5: {  	_ =	shalt  }
tec
execute0_lowered:
.L_overlay_start_1:
0x0: {  	(tag) =	ssettag $0x1  }
0x1: {  	s1 =	srdreg.scid;
	s3 =	stileid.u32  }
0x2: {  	s5 =	sand.u32 $0x1, s1;
	s31 =	sshll.u32 s3, $0x1  }
0x3: {  	s1 =	sor.u32 s5, s31  }
0x4: {  	p0 =	sgt.u32 s1, $0x18  }
.Ltmp0:
0x5: {  	_ = 	snop;
	(pc) =	sbr.rel @p0 .LBB2_5-.Ltmp0, $4  }
0x6: {  	s0 =	rddreg [dreg:$0x0]  }
0x7: {  	s2 =	rddreg [dreg:$0x1];
	s3 =	simm.s32 $0x0  }
0x8: {  	[smem:$0x7FF] =	sst s3  }
0x9: {  	s4 =	rddreg [dreg:$0x2];
	_ =	strace $0x80000047  }
0xa: {  	vm0 =	vmmov $0x1  }
0xb: {  	vm1 =	vcmask $0x30C;
	vm2 =	vcmask $0xF0C;
	vm3 =	vcmask $0x714  }
0xc: {  	vm4 =	vcmask $0xF18;
	vm5 =	vcmask $0x131C;
	vm6 =	vcmask $0x1F1C  }
0xd: {  	s6 =	sshll.u32 s1, $0x4;
	s5 =	ssub.s32 $0x2, s5;
	vm7 =	vcmask $0x1724;
	vm8 =	vcmask $0x1F28;
	vm9 =	vcmask $0x232C  }
0xe: {  	s7 =	simm.s32 $0x2;
	s8 =	simm.s32 $0x1;
	s9 =	simm.s32 $0x400;
	vm10 =	vcmask $0x2F2C;
	vm11 =	vcmask $0x2734;
	vm12 =	vcmask $0x2F38  }
0xf: {  	s10 =	simm.s32 $0x7A1400;
	vm13 =	vcmask $0x333C;
	vm14 =	vmmov $0x3fff;
	vm15 =	vmmov $0x7fff;
	s19 =	simm.s32 $0x10480;
	s31 =	sshrl.u32 s5, $0x1  }
0x10: {  	s20 =	simm.s32 $0x0;
	s4 =	sadd.s32 s6, s4;
	vm2 =	vmor vm3, vm2;
	vm3 =	vcmask $0xB14;
	vm6 =	vmor vm7, vm6;
	s6 =	ssub.s32 s5, s31  }
0x11: {  	vm7 =	vcmask $0x1B24;
	vm10 =	vmor vm11, vm10;
	vm11 =	vcmask $0x2B34;
	s4 =	sadd.s32 $0x1200, s4;
	s5 =	sadd.s32 s0, s1;
	s6 =	smax.u32 s6, $0x1  }
.LBB2_2:
0x12: {  	s21 =	simm.s32 $0x0  }
0x13: {  	[tilespmem:s21], [sflag:$0x2] =	stream.linear.gather [hbm4b:s5+s21], $0x8, $0x38;
	[tilespmem:$0x10500] =	vst v63  }
0x14: {  	_ =	swait.ge [sflag:s7], $0x8  }
0x15: {  	[sflag:s7] =	ssyncset.done $0x0  }
0x16: {  	[sflag:s7] =	ssyncadd.s32 $0xFFFFFFF8  }
0x17: {  	v0 =	vld [tilespmem:$0x0];
	_ =	sdelay $0x4  }
0x18: {  	(v2sf) =	vpush v0, $0x0;
	_ =	sdelay $0x5  }
0x19: {  	(v2sf) =	vpush v0, $0x1;
	_ =	sdelay $0x8  }
0x1a: {  	s0 =	spop (v2sf)  }
0x1b: {  	(v2sf) =	vpush v0, $0x2;
	s1 =	sand.u32 $0x7F, s0  }
0x1c: {  	s16 =	sshra.s32 s0, $0x1F;
	p1 =	slt.s32 s0, $0x1;
	p0 =	sne.s32 s1, $0x0  }
0x1d: {  	s1 =	sshrl.u32 s16, $0x19;
	p0 =	por !p1, !p0  }
0x1e: {  	s0 =	sadd.s32 s1, s0;
	s1 =	simm.s32 $0x1;
	p0 =	por !p0, !p0  }
0x1f: {  	s0 =	sshrl.u32 s0, $0x7;
	s1 =	simm.s32 @!p0 $0x0  }
0x20: {  	s17 =	simm.s32 $0x100;
	s18 =	spop (v2sf);
	s0 =	ssub.s32 s0, s1  }
0x21: {  	s22 =	sand.u32 $0x7F, s18;
	s23 =	sshra.s32 s18, $0x1F;
	s0 =	sshll.u32 s0, $0x7  }
0x22: {  	(v2sf) =	vpush v0, $0x3;
	p6 =	slt.s32 s18, $0x1;
	p5 =	sne.s32 s22, $0x0;
	s0 =	sand.u32 $0x1FFFFF80, s0  }
0x23: {  	p0 =	por !p6, !p5;
	s1 =	sshrl.u32 s23, $0x19;
	s0 =	sadd.s32 s2, s0  }
0x24: {  	[tilespmem:s17], [sflag:$0x1] =	stream.strided.gather [hbm4b:s0+s9], $0x2000, s10, s9, $0x38;
	[tilespmem:$0x10500] =	vst v63  }
0x25: {  	p0 =	por !p0, !p0;
	s0 =	sadd.s32 s1, s18;
	s1 =	simm.s32 $0x1  }
0x26: {  	s0 =	sshrl.u32 s0, $0x7;
	s1 =	simm.s32 @!p0 $0x0  }
0x27: {  	s0 =	ssub.s32 s0, s1  }
0x28: {  	s0 =	sshll.u32 s0, $0x7  }
0x29: {  	s0 =	sand.u32 $0x1FFFFF80, s0  }
0x2a: {  	s24 =	simm.s32 $0x2100;
	s0 =	sadd.s32 s2, s0;
	s25 =	spop (v2sf)  }
0x2b: {  	[tilespmem:s24], [sflag:$0x1] =	stream.strided.gather [hbm4b:s0+s9], $0x2000, s10, s9, $0x38;
	[tilespmem:$0x10500] =	vst v63  }
0x2c: {  	(v2sf) =	vpush v0, $0x4;
	s26 =	sand.u32 $0x7F, s25  }
0x2d: {  	s28 =	sshra.s32 s25, $0x1F;
	p2 =	slt.s32 s25, $0x1;
	p1 =	sne.s32 s26, $0x0  }
0x2e: {  	s1 =	sshrl.u32 s28, $0x19;
	p0 =	por !p2, !p1  }
0x2f: {  	s0 =	sadd.s32 s1, s25;
	s1 =	simm.s32 $0x1;
	p0 =	por !p0, !p0  }
0x30: {  	s0 =	sshrl.u32 s0, $0x7;
	s1 =	simm.s32 @!p0 $0x0  }
0x31: {  	s29 =	simm.s32 $0x4100;
	s30 =	spop (v2sf);
	s0 =	ssub.s32 s0, s1  }
0x32: {  	s31 =	sand.u32 $0x7F, s30;
	s11 =	sshra.s32 s30, $0x1F;
	s0 =	sshll.u32 s0, $0x7  }
0x33: {  	(v2sf) =	vpush v0, $0x5;
	p4 =	slt.s32 s30, $0x1;
	p3 =	sne.s32 s31, $0x0;
	s0 =	sand.u32 $0x1FFFFF80, s0  }
0x34: {  	p0 =	por !p4, !p3;
	s1 =	sshrl.u32 s11, $0x19;
	s0 =	sadd.s32 s2, s0  }
0x35: {  	[tilespmem:s29], [sflag:$0x1] =	stream.strided.gather [hbm4b:s0+s9], $0x2000, s10, s9, $0x38;
	[tilespmem:$0x10500] =	vst v63  }
0x36: {  	p0 =	por !p0, !p0;
	s0 =	sadd.s32 s1, s30;
	s1 =	simm.s32 $0x1  }
0x37: {  	s0 =	sshrl.u32 s0, $0x7;
	s1 =	simm.s32 @!p0 $0x0  }
0x38: {  	s0 =	ssub.s32 s0, s1  }
0x39: {  	s0 =	sshll.u32 s0, $0x7  }
0x3a: {  	s0 =	sand.u32 $0x1FFFFF80, s0  }
0x3b: {  	s12 =	simm.s32 $0x6100;
	s0 =	sadd.s32 s2, s0;
	s13 =	spop (v2sf)  }
0x3c: {  	[tilespmem:s12], [sflag:$0x1] =	stream.strided.gather [hbm4b:s0+s9], $0x2000, s10, s9, $0x38;
	[tilespmem:$0x10500] =	vst v63  }
0x3d: {  	(v2sf) =	vpush v0, $0x6;
	s14 =	sand.u32 $0x7F, s13  }
0x3e: {  	s15 =	sshra.s32 s13, $0x1F;
	p6 =	slt.s32 s13, $0x1;
	p5 =	sne.s32 s14, $0x0  }
0x3f: {  	s1 =	sshrl.u32 s15, $0x19;
	p0 =	por !p6, !p5  }
0x40: {  	s0 =	sadd.s32 s1, s13;
	s1 =	simm.s32 $0x1;
	p0 =	por !p0, !p0  }
0x41: {  	s0 =	sshrl.u32 s0, $0x7;
	s1 =	simm.s32 @!p0 $0x0  }
0x42: {  	s16 =	simm.s32 $0x8100;
	s17 =	spop (v2sf);
	s0 =	ssub.s32 s0, s1  }
0x43: {  	s18 =	sand.u32 $0x7F, s17;
	s22 =	sshra.s32 s17, $0x1F;
	s0 =	sshll.u32 s0, $0x7  }
0x44: {  	(v2sf) =	vpush v0, $0x7;
	p2 =	slt.s32 s17, $0x1;
	p1 =	sne.s32 s18, $0x0;
	s0 =	sand.u32 $0x1FFFFF80, s0  }
0x45: {  	p0 =	por !p2, !p1;
	s1 =	sshrl.u32 s22, $0x19;
	s0 =	sadd.s32 s2, s0  }
0x46: {  	[tilespmem:s16], [sflag:$0x1] =	stream.strided.gather [hbm4b:s0+s9], $0x2000, s10, s9, $0x38;
	[tilespmem:$0x10500] =	vst v63  }
0x47: {  	p0 =	por !p0, !p0;
	s0 =	sadd.s32 s1, s17;
	s1 =	simm.s32 $0x1  }
0x48: {  	s0 =	sshrl.u32 s0, $0x7;
	s1 =	simm.s32 @!p0 $0x0  }
0x49: {  	s0 =	ssub.s32 s0, s1  }
0x4a: {  	s0 =	sshll.u32 s0, $0x7  }
0x4b: {  	s0 =	sand.u32 $0x1FFFFF80, s0  }
0x4c: {  	s11 =	simm.s32 $0xA100;
	s23 =	spop (v2sf);
	s0 =	sadd.s32 s2, s0  }
0x4d: {  	[tilespmem:s11], [sflag:$0x1] =	stream.strided.gather [hbm4b:s0+s9], $0x2000, s10, s9, $0x38;
	[tilespmem:$0x10500] =	vst v63  }
0x4e: {  	s24 =	sand.u32 $0x7F, s23  }
0x4f: {  	s25 =	sshra.s32 s23, $0x1F;
	p4 =	slt.s32 s23, $0x1;
	p3 =	sne.s32 s24, $0x0  }
0x50: {  	s0 =	sshrl.u32 s25, $0x19;
	p0 =	por !p4, !p3  }
0x51: {  	s1 =	simm.s32 $0x1;
	s0 =	sadd.s32 s0, s23;
	p0 =	por !p0, !p0  }
0x52: {  	s0 =	sshrl.u32 s0, $0x7;
	s1 =	simm.s32 @!p0 $0x0  }
0x53: {  	s26 =	simm.s32 $0xC100;
	s28 =	spop (v2sf);
	s0 =	ssub.s32 s0, s1  }
0x54: {  	s29 =	sand.u32 $0x7F, s28;
	s30 =	sshra.s32 s28, $0x1F;
	s0 =	sshll.u32 s0, $0x7  }
0x55: {  	p6 =	slt.s32 s28, $0x1;
	p5 =	sne.s32 s29, $0x0;
	s0 =	sand.u32 $0x1FFFFF80, s0  }
0x56: {  	p0 =	por !p6, !p5;
	s1 =	sshrl.u32 s30, $0x19;
	s0 =	sadd.s32 s2, s0  }
0x57: {  	[tilespmem:s26], [sflag:$0x1] =	stream.strided.gather [hbm4b:s0+s9], $0x2000, s10, s9, $0x38;
	[tilespmem:$0x10500] =	vst v63  }
0x58: {  	p0 =	por !p0, !p0;
	s0 =	sadd.s32 s1, s28;
	s1 =	simm.s32 $0x1  }
0x59: {  	s0 =	sshrl.u32 s0, $0x7;
	s1 =	simm.s32 @!p0 $0x0  }
0x5a: {  	s0 =	ssub.s32 s0, s1  }
0x5b: {  	s0 =	sshll.u32 s0, $0x7  }
0x5c: {  	s0 =	sand.u32 $0x1FFFFF80, s0  }
0x5d: {  	s31 =	simm.s32 $0xE100;
	s0 =	sadd.s32 s2, s0  }
0x5e: {  	[tilespmem:s31], [sflag:$0x1] =	stream.strided.gather [hbm4b:s0+s9], $0x2000, s10, s9, $0x38;
	[tilespmem:$0x10500] =	vst v63  }
0x5f: {  	_ =	swait.ge [sflag:s8], $0x2000  }
0x60: {  	[sflag:s8] =	ssyncset.done $0x0  }
0x61: {  	[sflag:s8] =	ssyncadd.s32 $0xFFFFE000  }
0x62: {  	_ =	swait.ge [sflag:s8], $0x2000  }
0x63: {  	[sflag:s8] =	ssyncset.done $0x0  }
0x64: {  	[sflag:s8] =	ssyncadd.s32 $0xFFFFE000  }
0x65: {  	_ =	swait.ge [sflag:s8], $0x2000  }
0x66: {  	[sflag:s8] =	ssyncset.done $0x0  }
0x67: {  	[sflag:s8] =	ssyncadd.s32 $0xFFFFE000  }
0x68: {  	_ =	swait.ge [sflag:s8], $0x2000  }
0x69: {  	[sflag:s8] =	ssyncset.done $0x0  }
0x6a: {  	[sflag:s8] =	ssyncadd.s32 $0xFFFFE000  }
0x6b: {  	_ =	swait.ge [sflag:s8], $0x2000  }
0x6c: {  	[sflag:s8] =	ssyncset.done $0x0  }
0x6d: {  	[sflag:s8] =	ssyncadd.s32 $0xFFFFE000  }
0x6e: {  	_ =	swait.ge [sflag:s8], $0x2000  }
0x6f: {  	[sflag:s8] =	ssyncset.done $0x0  }
0x70: {  	[sflag:s8] =	ssyncadd.s32 $0xFFFFE000  }
0x71: {  	_ =	swait.ge [sflag:s8], $0x2000  }
0x72: {  	[sflag:s8] =	ssyncset.done $0x0  }
0x73: {  	[sflag:s8] =	ssyncadd.s32 $0xFFFFE000  }
0x74: {  	_ =	swait.ge [sflag:s8], $0x2000  }
0x75: {  	v1 =	vimm.f32 $0.0e+00;
	[sflag:s8] =	ssyncset.done $0x0  }
0x76: {  	v2 =	vimm.f32 $0.0e+00;
	v3 =	vimm.f32 $0.0e+00;
	v0 =	vimm.f32 $0.0e+00;
	s22 =	simm.s32 $0x0;
	[sflag:s8] =	ssyncadd.s32 $0xFFFFE000  }
.LBB2_3:
0x77: {  	v4 =	vld [tilespmem:s21+$0x0];
	_ =	sdelay $0x4  }
0x78: {  	(v2sf) =	vpush v4, $0x0;
	_ =	sdelay $0xe  }
0x79: {  	s0 =	spop (v2sf)  }
0x7a: {  	s15 =	sand.u32 $0x7F, s0  }
0x7b: {  	s14 =	sshra.s32 s22, $0x2;
	s0 =	sadd.s32 $0xFFFFFFFF, s15;
	s11 =	sadd.s32 $0xFFFFFFFE, s15  }
0x7c: {  	s24 =	sadd.s32 s14, s15;
	s25 =	sadd.s32 $0xFFFFFFFD, s15;
	s30 =	sadd.s32 $0xFFFFFFFC, s15  }
0x7d: {  	s16 =	sadd.s32 $0xFFFFFFFB, s15;
	s1 =	sand.u32 $0x7F, s0;
	s0 =	sand.u32 $0xFFFFFE00, s0  }
0x7e: {  	s12 =	sand.u32 $0x7F, s11;
	s11 =	sshll.u32 s11, $0x2;
	v4 =	vld [tilespmem:s24+$0x100];
	s1 =	sshll.u32 s1, $0x2  }
0x7f: {  	v20 =	vld [tilespmem:s24+$0x900];
	s11 =	sand.u32 $0xFFFFFE00, s11;
	s12 =	sshll.u32 s12, $0x2;
	s0 =	sor.u32 s1, s0  }
0x80: {  	s28 =	sshll.u32 s25, $0x2;
	v50 =	vld [tilespmem:s24+$0x1100];
	s23 =	sor.u32 s12, s11;
	s0 =	sshra.s32 s0, $0x2  }
0x81: {  	s29 =	sand.u32 $0x7F, s25;
	v58 =	vld [tilespmem:s24+$0x1900];
	s1 =	sshra.s32 s23, $0x2;
	s26 =	sadd.s32 s14, s0  }
0x82: {  	s31 =	sand.u32 $0x7F, s30;
	s18 =	sshll.u32 s16, $0x2;
	s23 =	sadd.s32 s14, s1;
	v5 =	vld [tilespmem:s26+$0x180]  }
0x83: {  	s25 =	sadd.s32 $0xFFFFFFFA, s15;
	s13 =	sshll.u32 s31, $0x2;
	s11 =	sshll.u32 s30, $0x2;
	v6 =	vld [tilespmem:s23+$0x200]  }
0x84: {  	s12 =	sshll.u32 s25, $0x2;
	s0 =	sand.u32 $0xFFFFFE00, s28;
	s1 =	sshll.u32 s29, $0x2;
	v21 =	vld [tilespmem:s26+$0x980]  }
0x85: {  	s11 =	sand.u32 $0xFFFFFE00, s11;
	s28 =	sand.u32 $0xFFFFFE00, s12;
	s0 =	sor.u32 s1, s0;
	v22 =	vld [tilespmem:s23+$0xA00]  }
0x86: {  	s1 =	sor.u32 s13, s11;
	s11 =	sand.u32 $0x7F, s16;
	s13 =	sand.u32 $0x7F, s25;
	v51 =	vld [tilespmem:s26+$0x1180]  }
0x87: {  	s25 =	sadd.s32 $0xFFFFFFF8, s15;
	v53 =	vld [tilespmem:s23+$0x1200];
	s0 =	sshra.s32 s0, $0x2;
	s17 =	sshra.s32 s1, $0x2  }
0x88: {  	v59 =	vld [tilespmem:s26+$0x1980];
	s1 =	sand.u32 $0xFFFFFE00, s18;
	s11 =	sshll.u32 s11, $0x2;
	s31 =	sshll.u32 s13, $0x2  }
0x89: {  	v63 =	vld [tilespmem:s23+$0x1A00];
	s12 =	sshll.u32 s25, $0x2;
	s29 =	sadd.s32 s14, s0;
	s1 =	sor.u32 s11, s1  }
0x8a: {  	s30 =	sadd.s32 s14, s17;
	s13 =	sor.u32 s31, s28;
	s17 =	sadd.s32 $0xFFFFFFF9, s15;
	v7 =	vld [tilespmem:s29+$0x280]  }
0x8b: {  	s31 =	sand.u32 $0x7F, s25;
	s12 =	sand.u32 $0xFFFFFE00, s12;
	s1 =	sshra.s32 s1, $0x2;
	v8 =	vld [tilespmem:s30+$0x300]  }
0x8c: {  	s16 =	sshra.s32 s13, $0x2;
	s18 =	sand.u32 $0x7F, s17;
	s13 =	sshll.u32 s31, $0x2;
	v23 =	vld [tilespmem:s29+$0xA80]  }
0x8d: {  	v24 =	vld [tilespmem:s30+$0xB00];
	s28 =	sadd.s32 s14, s1;
	s1 =	sshll.u32 s17, $0x2;
	s11 =	sshll.u32 s18, $0x2  }
0x8e: {  	v29 =	vld [tilespmem:s29+$0x1280];
	s31 =	sadd.s32 s14, s16;
	s16 =	sor.u32 s13, s12;
	s18 =	sadd.s32 $0xFFFFFFF7, s15  }
0x8f: {  	v54 =	vld [tilespmem:s30+$0x1300];
	s1 =	sand.u32 $0xFFFFFE00, s1;
	s17 =	sshra.s32 s16, $0x2;
	s13 =	sshll.u32 s18, $0x2  }
0x90: {  	v33 =	vld [tilespmem:s30+$0x1B00];
	s16 =	sand.u32 $0x7F, s18;
	s11 =	sor.u32 s11, s1;
	s25 =	sadd.s32 s14, s17  }
0x91: {  	v9 =	vld [tilespmem:s28+$0x380];
	s17 =	sadd.s32 $0xFFFFFFF6, s15;
	s0 =	sshra.s32 s11, $0x2;
	s11 =	sshll.u32 s16, $0x2  }
0x92: {  	v10 =	vld [tilespmem:s31+$0x400];
	s18 =	sand.u32 $0x7F, s17;
	s12 =	sshll.u32 s17, $0x2;
	s17 =	sadd.s32 $0xFFFFFFF5, s15  }
0x93: {  	v25 =	vld [tilespmem:s28+$0xB80];
	s1 =	sadd.s32 s14, s0;
	s0 =	sand.u32 $0xFFFFFE00, s13;
	s12 =	sand.u32 $0xFFFFFE00, s12  }
0x94: {  	v4 =	vadd.f32 v4, v3;
	v56 =	vld [tilespmem:s28+$0x1380];
	s16 =	sshll.u32 s18, $0x2;
	s18 =	sshll.u32 s17, $0x2;
	s0 =	sor.u32 s11, s0  }
0x95: {  	v5 =	vadd.f32 v3, v5;
	v61 =	vld [tilespmem:s31+$0x1400];
	s11 =	sor.u32 s16, s12;
	s12 =	sand.u32 $0x7F, s17;
	s13 =	sand.u32 $0xFFFFFE00, s18  }
0x96: {  	v3 =	vsel vm0, v4, v3;
	v35 =	vld [tilespmem:s28+$0x1B80];
	s16 =	sadd.s32 $0xFFFFFFF4, s15;
	s0 =	sshra.s32 s0, $0x2;
	s11 =	sshra.s32 s11, $0x2  }
0x97: {  	v38 =	vld [tilespmem:s31+$0x1C00];
	v4 =	vsel vm1, v3, v5;
	v3 =	vadd.f32 v3, v6;
	s12 =	sshll.u32 s12, $0x2;
	s17 =	sand.u32 $0x7F, s16;
	s16 =	sshll.u32 s16, $0x2  }
0x98: {  	v12 =	vld [tilespmem:s25+$0x500];
	v44 =	vadd.f32 v4, v7;
	s0 =	sadd.s32 s14, s0;
	s16 =	sand.u32 $0xFFFFFE00, s16;
	s17 =	sshll.u32 s17, $0x2  }
0x99: {  	v11 =	vld [tilespmem:s1+$0x480];
	v3 =	vsel vm2, v4, v3;
	s13 =	sor.u32 s12, s13;
	s12 =	sadd.s32 s14, s11;
	s16 =	sor.u32 s17, s16  }
0x9a: {  	v5 =	vld [tilespmem:s31+$0xC00];
	v4 =	vadd.f32 v4, v8;
	v3 =	vsel vm3, v3, v44;
	s13 =	sshra.s32 s13, $0x2;
	s17 =	sadd.s32 $0xFFFFFFF3, s15;
	s16 =	sshra.s32 s16, $0x2  }
0x9b: {  	v26 =	vld [tilespmem:s25+$0xD00];
	v47 =	vadd.f32 v3, v9;
	s18 =	sand.u32 $0x7F, s17;
	s11 =	sadd.s32 s14, s16;
	s16 =	sshll.u32 s17, $0x2  }
0x9c: {  	v52 =	vadd.f32 v20, v2;
	v3 =	vsel vm4, v3, v4;
	v13 =	vld [tilespmem:s0+$0x580];
	s17 =	sshll.u32 s18, $0x2;
	s18 =	sadd.s32 $0xFFFFFFF2, s15;
	s16 =	sand.u32 $0xFFFFFE00, s16  }
0x9d: {  	v30 =	vadd.f32 v58, v0;
	v31 =	vld [tilespmem:s25+$0x1500];
	v8 =	vsel vm5, v3, v47;
	v3 =	vadd.f32 v3, v10;
	s16 =	sor.u32 s17, s16;
	s17 =	sand.u32 $0x7F, s18;
	s18 =	sshll.u32 s18, $0x2  }
0x9e: {  	v21 =	vadd.f32 v2, v21;
	v14 =	vld [tilespmem:s12+$0x600];
	s13 =	sadd.s32 s14, s13;
	v11 =	vadd.f32 v8, v11;
	s18 =	sand.u32 $0xFFFFFE00, s18;
	s17 =	sshll.u32 s17, $0x2  }
0x9f: {  	v2 =	vsel vm0, v52, v2;
	v32 =	vadd.f32 v0, v59;
	s15 =	sadd.s32 $0xFFFFFFF1, s15;
	v15 =	vld [tilespmem:s13+$0x680];
	v3 =	vsel vm6, v8, v3;
	s16 =	sshra.s32 s16, $0x2;
	s17 =	sor.u32 s17, s18  }
0xa0: {  	v55 =	vsel vm1, v2, v21;
	v16 =	vld [tilespmem:s11+$0x700];
	v8 =	vadd.f32 v8, v12;
	v11 =	vsel vm7, v3, v11;
	s18 =	sand.u32 $0x7F, s15;
	s15 =	sshll.u32 s15, $0x2;
	s16 =	sadd.s32 s14, s16  }
0xa1: {  	v60 =	vadd.f32 v55, v24;
	v24 =	vld [tilespmem:s29+$0x1A80];
	v49 =	vadd.f32 v11, v13;
	s15 =	sand.u32 $0xFFFFFE00, s15;
	s18 =	sshll.u32 s18, $0x2;
	s17 =	sshra.s32 s17, $0x2  }
0xa2: {  	v0 =	vsel vm0, v30, v0;
	v2 =	vadd.f32 v2, v22;
	v8 =	vsel vm8, v11, v8;
	v17 =	vld [tilespmem:s16+$0x780];
	s18 =	sor.u32 s18, s15;
	s15 =	sadd.s32 s14, s17  }
0xa3: {  	v57 =	vadd.f32 v55, v23;
	v12 =	vsel vm9, v8, v49;
	v8 =	vadd.f32 v8, v14;
	v18 =	vld [tilespmem:s15+$0x800]  }
0xa4: {  	v34 =	vsel vm1, v0, v32;
	v45 =	vld [tilespmem:s1+$0xC80];
	v2 =	vsel vm2, v55, v2;
	v15 =	vadd.f32 v12, v15  }
0xa5: {  	v39 =	vld [tilespmem:s1+$0x1C80];
	v2 =	vsel vm3, v2, v57;
	v8 =	vsel vm10, v12, v8;
	v12 =	vadd.f32 v12, v16  }
0xa6: {  	v0 =	vadd.f32 v0, v63;
	v62 =	vadd.f32 v2, v25;
	v25 =	vld [tilespmem:s1+$0x1480];
	v8 =	vsel vm11, v8, v15  }
0xa7: {  	v42 =	vadd.f32 v34, v33;
	v46 =	vld [tilespmem:s0+$0xD80];
	v12 =	vsel vm12, v8, v12;
	v8 =	vadd.f32 v8, v17  }
0xa8: {  	v0 =	vsel vm2, v34, v0;
	v48 =	vld [tilespmem:s12+$0xE00];
	v13 =	vadd.f32 v50, v1;
	v18 =	vadd.f32 v12, v18  }
0xa9: {  	v2 =	vsel vm4, v2, v60;
	v37 =	vld [tilespmem:s0+$0x1580];
	v11 =	vadd.f32 v1, v51;
	v8 =	vsel vm13, v12, v8  }
0xaa: {  	v43 =	vld [tilespmem:s12+$0x1600];
	v1 =	vsel vm0, v13, v1;
	v12 =	vadd.f32 v34, v24;
	v17 =	vsel vm14, v8, v18  }
0xab: {  	v27 =	vld [tilespmem:s13+$0xE80];
	v18 =	vsel vm5, v2, v62;
	v2 =	vadd.f32 v2, v5;
	v5 =	vsel vm1, v1, v11  }
0xac: {  	v10 =	vld [tilespmem:s11+$0xF00];
	v1 =	vadd.f32 v1, v53;
	v0 =	vsel vm3, v0, v12;
	v7 =	vadd.f32 v18, v45  }
0xad: {  	v47 =	vld [tilespmem:s11+$0x1700];
	v36 =	vadd.f32 v5, v29;
	v44 =	vadd.f32 v0, v35  }
0xae: {  	v50 =	vld [tilespmem:s13+$0x1E80];
	v0 =	vsel vm4, v0, v42;
	v2 =	vsel vm6, v18, v2;
	v18 =	vadd.f32 v18, v26  }
0xaf: {  	v45 =	vld [tilespmem:s25+$0x1D00];
	v1 =	vsel vm2, v5, v1;
	v5 =	vadd.f32 v5, v54;
	v2 =	vsel vm7, v2, v7  }
0xb0: {  	v28 =	vld [tilespmem:s16+$0xF80];
	v1 =	vsel vm3, v1, v36;
	v6 =	vsel vm5, v0, v44;
	v0 =	vadd.f32 v0, v38  }
0xb1: {  	v52 =	vld [tilespmem:s16+$0x1780];
	v40 =	vsel vm8, v2, v18;
	v41 =	vadd.f32 v1, v56;
	v2 =	vadd.f32 v2, v46  }
0xb2: {  	v1 =	vsel vm4, v1, v5;
	v46 =	vld [tilespmem:s0+$0x1D80];
	v7 =	vadd.f32 v6, v39;
	v9 =	vadd.f32 v40, v48  }
0xb3: {  	v57 =	vld [tilespmem:s16+$0x1F80];
	v0 =	vsel vm6, v6, v0;
	v14 =	vsel vm5, v1, v41;
	v1 =	vadd.f32 v1, v61  }
0xb4: {  	v4 =	vld [tilespmem:s15+$0x1000];
	v2 =	vsel vm9, v40, v2;
	v6 =	vadd.f32 v6, v45;
	v13 =	vadd.f32 v14, v25  }
0xb5: {  	v48 =	vld [tilespmem:s12+$0x1E00];
	v0 =	vsel vm7, v0, v7;
	v11 =	vadd.f32 v14, v31;
	v49 =	vadd.f32 v2, v27  }
0xb6: {  	v56 =	vld [tilespmem:s11+$0x1F00];
	v9 =	vsel vm10, v2, v9;
	v2 =	vadd.f32 v2, v10;
	v1 =	vsel vm6, v14, v1  }
0xb7: {  	s18 =	sshra.s32 s18, $0x2;
	v5 =	vld [tilespmem:s13+$0x1680];
	v1 =	vsel vm7, v1, v13;
	v9 =	vsel vm11, v9, v49;
	v54 =	vadd.f32 v0, v46  }
0xb8: {  	v59 =	vld [tilespmem:s15+$0x2000];
	s14 =	sadd.s32 s14, s18;
	v0 =	vsel vm8, v0, v6;
	v51 =	vadd.f32 v1, v37;
	v1 =	vsel vm8, v1, v11  }
0xb9: {  	v19 =	vld [tilespmem:s14+$0x880];
	v2 =	vsel vm12, v9, v2;
	v9 =	vadd.f32 v9, v28;
	v13 =	vsel vm9, v0, v54  }
0xba: {  	v3 =	vld [tilespmem:s14+$0x1080];
	v0 =	vadd.f32 v0, v48;
	v55 =	vsel vm9, v1, v51;
	v1 =	vadd.f32 v1, v43  }
0xbb: {  	v58 =	vld [tilespmem:s14+$0x1880];
	v7 =	vadd.f32 v13, v50;
	v6 =	vadd.f32 v13, v56  }
0xbc: {  	v53 =	vld [tilespmem:s15+$0x1800];
	v9 =	vsel vm13, v2, v9;
	v5 =	vadd.f32 v55, v5;
	v0 =	vsel vm10, v13, v0  }
0xbd: {  	v60 =	vld [tilespmem:s14+$0x2080];
	v2 =	vadd.f32 v2, v4;
	v1 =	vsel vm10, v55, v1;
	v0 =	vsel vm11, v0, v7  }
0xbe: {  	v1 =	vsel vm11, v1, v5;
	v5 =	vadd.f32 v55, v47;
	v4 =	vadd.f32 v0, v57  }
0xbf: {  	p0 =	sne.s32 s22, $0x38000;
	v8 =	vadd.f32 v8, v19;
	v0 =	vsel vm12, v0, v6;
	v61 =	vadd.f32 v1, v52  }
.Ltmp1:
0xc0: {  	v62 =	vadd.f32 v9, v3;
	v1 =	vsel vm12, v1, v5;
	v4 =	vsel vm13, v0, v4;
	(pc) =	sbr.rel @p0 .LBB2_3-.Ltmp1, $4  }
0xc1: {  	v0 =	vadd.f32 v0, v59;
	v5 =	vsel vm13, v1, v61;
	v1 =	vadd.f32 v1, v53  }
0xc2: {  	v3 =	vsel vm15, v17, v8;
	v7 =	vadd.f32 v4, v60;
	v63 =	vadd.f32 v5, v58  }
0xc3: {  	v2 =	vsel vm14, v9, v2;
	v0 =	vsel vm14, v4, v0;
	v1 =	vsel vm14, v5, v1  }
0xc4: {  	s21 =	sadd.s32 $0x1, s21;
	s22 =	sadd.s32 $0x8000, s22;
	v2 =	vsel vm15, v2, v62;
	v0 =	vsel vm15, v0, v7;
	v1 =	vsel vm15, v1, v63  }
0xc5: {  	[tilespmem:$0x10480] =	vst v3  }
0xc6: {  	[tilespmem:$0x10490] =	vst v2;
	s20 =	sadd.s32 $0x1, s20  }
0xc7: {  	[tilespmem:$0x104A0] =	vst v1;
	p0 =	sne.s32 s20, s6  }
.Ltmp2:
0xc8: {  	[tilespmem:$0x104B0] =	vst v0;
	(pc) =	sbr.rel @p0 .LBB2_2-.Ltmp2, $4  }
0xc9: {  	[hbm4b:s4+s3] =	stream.linear.scatter [tilespmem:s19], [sflag:$0x2], $0x80, $0x38;
	[tilespmem:$0x10500] =	vst v63  }
0xca: {  	_ =	swait.ge [sflag:s7], $0x80  }
0xcb: {  	[sflag:s7] =	ssyncset.done $0x0  }
0xcc: {  	[sflag:s7] =	ssyncadd.s32 $0xFFFFFF80  }
.LBB2_5:
0xcd: {  	_ =	sfence.sel $0x180000  }
0xce: {  	[bflag:$0x0] =	sbarrier.arrive $0xFFFF  }
0xcf: {  	_ =	strace $0x90000047  }
0xd0: {  	s0 =	stileid.u32;
	[bflag:$0x2] =	sbarrier.arrive $0xFFFF  }
0xd1: {  	p0 =	sne.s32 s0, $0x0;
	s0 =	rddreg [dreg:$0x3]  }
0xd2: {  	s0 =	sadd.s32 @!p0 $0x100000, s0  }
0xd3: {  	[sflag:s0] =	ssyncadd.tile.s32 @!p0 $0x1;
	_ =	shalt  }
.Lfunc_end2:
_tile_overlayer_lowered:
.L_overlay_start_2:
0xd4: {  	(tag) =	ssettag $0x2  }
0xd5: {  	s0 =	rddreg [dreg:$0x0];
	s2 =	stileid.u32  }
0xd6: {  	s1 =	rddreg [dreg:$0x1];
	p0 =	sne.s32 s2, $0x0  }
0xd7: {  	s3 =	rddreg [dreg:$0x2];
	[bflag:$0x3] =	sbarrier.arrive $0xFFFF;
	s2 =	simm.s32 @!p0 $0x1C02  }
0xd8: {  	[timem:s3], [sflag:s2] =	dma.local @!p0 [hbm:s0], s1  }
0xd9: {  	s0 =	simm.s32 @!p0 $0x2  }
0xda: {  	_ =	swait.ge @!p0 [sflag:s0], s1  }
0xdb: {  	s1 =	ssub.s32 @!p0 $0x0, s1;
	[sflag:s0] =	ssyncset.done @!p0 $0x0  }
0xdc: {  	[sflag:s0] =	ssyncadd.s32 @!p0 s1  }
0xdd: {  	[bflag:$0x3] =	sbarrier.arrive $0xFFFF  }
0xde: {  	_ =	shalt  }

</sc_bundles>
